<compile_context>
chip_gen: v7x
topology: tpu7x:2x2x1
jax: 0.10.2.dev20260603
libtpu: 0.0.44.dev20260713+nightly
codegen_flags: <defaults>
</compile_context>

<pallas_src>
import functools

import jax
import jax.numpy as jnp
from jax import lax
from jax.experimental import pallas as pl
from jax.experimental.pallas import tpu as pltpu
from jax.experimental.pallas import tpu_sc as plsc

N = 10000
D = 128
E = 320000

NC = 2
NS = 16
NW = NC * NS

B = 128
CHUNK = 10112
STEPS = CHUNK // B
EPAD = NW * CHUNK
NPAD = 10112
RPT = NPAD // NS

_mesh = plsc.VectorSubcoreMesh(
    core_axis_name="c", subcore_axis_name="s", num_cores=NC, num_subcores=NS
)


_CH = ((0, 128), (128, 128), (256, 128), (384, 128), (512, 120))


@functools.partial(
    pl.kernel,
    out_type=(
        jax.ShapeDtypeStruct((NC, NPAD, D), jnp.float32),
        jax.ShapeDtypeStruct((NW, NPAD), jnp.float32),
    ),
    mesh=_mesh,
    compiler_params=pltpu.CompilerParams(needs_layout_passes=False),
    scratch_types=(
        pltpu.VMEM((B,), jnp.int32),
        pltpu.VMEM((B,), jnp.int32),
        pltpu.VMEM((B, D), jnp.float32),
        pltpu.VMEM((NPAD,), jnp.float32),
        pltpu.VMEM_SHARED((NPAD, D), jnp.float32),
        pltpu.SemaphoreType.DMA,
    ),
)
def _sc_agg(x_hbm, src_hbm, dst_hbm, z_hbm, z1_hbm, agg_out, cnt_out,
            src_blk, dst_blk, rows, cntv, agg_sh, sem):
    c = lax.axis_index("c")
    s = lax.axis_index("s")
    wid = s * NC + c
    r0 = s * RPT

    pltpu.sync_copy(z_hbm, rows)
    for o, l in _CH:
        pltpu.sync_copy(rows.at[pl.ds(0, l)],
                        agg_sh.at[pl.ds(pl.multiple_of(r0 + o, 8), l)])
    pltpu.sync_copy(z1_hbm, cntv)
    plsc.subcore_barrier()

    ones16 = jnp.ones((16,), jnp.float32)

    def step(i, carry):
        base = pl.multiple_of(wid * CHUNK + i * B, B)
        pltpu.sync_copy(src_hbm.at[pl.ds(base, B)], src_blk)
        pltpu.sync_copy(dst_hbm.at[pl.ds(base, B)], dst_blk)
        pltpu.async_copy(x_hbm.at[src_blk], rows, sem).wait()
        pltpu.sync_copy(rows, agg_sh.at[dst_blk], add=True)
        for k in range(B // 16):
            plsc.addupdate_scatter(cntv, [dst_blk[pl.ds(k * 16, 16)]], ones16)
        return carry

    lax.fori_loop(0, STEPS, step, 0)
    plsc.subcore_barrier()

    for o, l in _CH:
        ro = pl.multiple_of(r0 + o, 8)
        pltpu.sync_copy(agg_sh.at[pl.ds(ro, l)], rows.at[pl.ds(0, l)])
        pltpu.sync_copy(rows.at[pl.ds(0, l)], agg_out.at[c].at[pl.ds(ro, l)])
    pltpu.sync_copy(cntv, cnt_out.at[wid])


BN = 400


def _dense(agg_ref, inv_ref, x, wl_ref, b_ref, wr_ref):
    mean = (agg_ref[0] + agg_ref[1]) * inv_ref[...]
    return (jnp.dot(mean, wl_ref[...], preferred_element_type=jnp.float32)
            + b_ref[...]
            + jnp.dot(x, wr_ref[...], preferred_element_type=jnp.float32))


def _tc1_body(agg_ref, inv_ref, x_ref, wl_ref, b_ref, wr_ref, h_ref):
    z = _dense(agg_ref, inv_ref, x_ref[...], wl_ref, b_ref, wr_ref)
    h_ref[...] = jnp.maximum(z, 0.0)


def _tc2_body(agg_ref, inv_ref, x_ref, wl_ref, b_ref, wr_ref, o_ref):
    z = _dense(agg_ref, inv_ref, x_ref[...], wl_ref, b_ref, wr_ref)
    m = jnp.max(z, axis=1, keepdims=True)
    lse = jnp.log(jnp.sum(jnp.exp(z - m), axis=1, keepdims=True)) + m
    o_ref[...] = z - lse


def _make_tc(body):
    return pl.pallas_call(
        body,
        grid=(N // BN,),
        in_specs=[
            pl.BlockSpec((NC, BN, D), lambda i: (0, i, 0)),
            pl.BlockSpec((BN, 1), lambda i: (i, 0)),
            pl.BlockSpec((BN, D), lambda i: (i, 0)),
            pl.BlockSpec((D, D), lambda i: (0, 0)),
            pl.BlockSpec((1, D), lambda i: (0, 0)),
            pl.BlockSpec((D, D), lambda i: (0, 0)),
        ],
        out_specs=pl.BlockSpec((BN, D), lambda i: (i, 0)),
        out_shape=jax.ShapeDtypeStruct((N, D), jnp.float32),
    )


_tc1 = _make_tc(_tc1_body)
_tc2 = _make_tc(_tc2_body)


def kernel(x, edge_index, W1_l, b1, W1_r, W2_l, b2, W2_r):
    src = edge_index[0].astype(jnp.int32)
    dst = edge_index[1].astype(jnp.int32)
    pad = EPAD - E
    src = jnp.concatenate([src, jnp.zeros((pad,), jnp.int32)])
    dst = jnp.concatenate([dst, jnp.full((pad,), N, jnp.int32)])
    z128 = jnp.zeros((B, D), jnp.float32)
    z1 = jnp.zeros((NPAD,), jnp.float32)

    agg1, cnt = _sc_agg(x, src, dst, z128, z1)
    inv = (1.0 / jnp.maximum(jnp.sum(cnt[:, :N], axis=0), 1.0))[:, None]
    h = _tc1(agg1[:, :N], inv, x, W1_l, b1.reshape(1, D), W1_r)
    agg2, _ = _sc_agg(h, src, dst, z128, z1)
    return _tc2(agg2[:, :N], inv, h, W2_l, b2.reshape(1, D), W2_r)

# --- scband reference (transcript-rebuilt; emitter-appended) ---
"""Pipeline reference for scband-graph-sagemodel-56212531970402 (READ-ONLY COPY).

The authoritative reference and input builder live on the scoring server;
editing this copy changes nothing except your own understanding.
"""

import jax, jax.numpy as jnp
import numpy as np

N_NODES = 10000
N_EDGES = 320000
IN_CH = 128
HID_CH = 128
OUT_CH = 128


def _sage_conv(x, edge_index, W_l, b_l, W_r):
    # PyG SAGEConv (aggr='mean', root_weight=True):
    #   out = lin_l(mean_{j in N(i)} x_j) + lin_r(x_i)
    src = edge_index[0]
    dst = edge_index[1]
    msgs = jnp.take(x, src, axis=0)  # gather: [E, d]
    agg = jax.ops.segment_sum(msgs, dst, num_segments=N_NODES)  # scatter-add
    cnt = jax.ops.segment_sum(jnp.ones((msgs.shape[0],), dtype=x.dtype), dst, num_segments=N_NODES)
    mean = agg / jnp.maximum(cnt, 1.0)[:, None]
    return mean @ W_l + b_l + x @ W_r


def setup_inputs(seed: int = 0) -> dict:
    key = jax.random.key(seed)
    k_x, k_e, k1, k2, k3, k4, k5, k6 = jax.random.split(key, 8)
    x = jax.random.normal(k_x, (N_NODES, IN_CH), dtype=jnp.float32)
    edge_index = jax.random.randint(k_e, (2, N_EDGES), 0, N_NODES, dtype=jnp.int64)
    s1 = 1.0 / np.sqrt(IN_CH)
    s2 = 1.0 / np.sqrt(HID_CH)
    W1_l = jax.random.uniform(k1, (IN_CH, HID_CH), jnp.float32, -s1, s1)
    b1 = jax.random.uniform(k2, (HID_CH,), jnp.float32, -s1, s1)
    W1_r = jax.random.uniform(k3, (IN_CH, HID_CH), jnp.float32, -s1, s1)
    W2_l = jax.random.uniform(k4, (HID_CH, OUT_CH), jnp.float32, -s2, s2)
    b2 = jax.random.uniform(k5, (OUT_CH,), jnp.float32, -s2, s2)
    W2_r = jax.random.uniform(k6, (HID_CH, OUT_CH), jnp.float32, -s2, s2)
    return {"x": x, "edge_index": edge_index, "W1_l": W1_l, "b1": b1, "W1_r": W1_r,
            "W2_l": W2_l, "b2": b2, "W2_r": W2_r}


def reference(x, edge_index, W1_l, b1, W1_r, W2_l, b2, W2_r):
    h = _sage_conv(x, edge_index, W1_l, b1, W1_r)
    h = jax.nn.relu(h)
    h = _sage_conv(h, edge_index, W2_l, b2, W2_r)
    return jax.nn.log_softmax(h, axis=1)

if __name__ == "__main__":
    import jax
    _d = setup_inputs()
    print(jax.jit(kernel)(*tuple(_d.values())))

</pallas_src>

<mosaic_0001>
#map = affine_map<(d0, d1) -> (0, 0)>
#map1 = affine_map<(d0, d1) -> (0)>
#map2 = affine_map<(d0, d1) -> (0, 0, 0)>
module attributes {stable_mosaic.version = 14 : i64} {
  func.func @_sc_agg(%arg0: i32, %arg1: i32, %arg2: memref<10000x128xf32, #tpu.memory_space<hbm>>, %arg3: memref<323584xi32, #tpu.memory_space<hbm>>, %arg4: memref<323584xi32, #tpu.memory_space<hbm>>, %arg5: memref<128x128xf32, #tpu.memory_space<hbm>>, %arg6: memref<10112xf32, #tpu.memory_space<hbm>>, %arg7: memref<2x10112x128xf32, #tpu.memory_space<hbm>>, %arg8: memref<32x10112xf32, #tpu.memory_space<hbm>>, %arg9: memref<128xi32, #tpu.memory_space<vmem>>, %arg10: memref<128xi32, #tpu.memory_space<vmem>>, %arg11: memref<128x128xf32, #tpu.memory_space<vmem>>, %arg12: memref<10112xf32, #tpu.memory_space<vmem>>, %arg13: memref<10112x128xf32, #tpu.memory_space<vmem_shared>>, %arg14: memref<!tpu.dma_semaphore, #tpu.memory_space<semaphore_mem>>) attributes {dimension_semantics = [#tpu.dimension_semantics<core_parallel>, #tpu.dimension_semantics<subcore_parallel>], iteration_bounds = array<i64: 2, 16>, scalar_prefetch = 0 : i64, scratch_operands = 6 : i64, tpu.core_type = #tpu.core_type<sc_vector_subcore>, window_params = [{transform_indices = #map}, {transform_indices = #map1}, {transform_indices = #map1}, {transform_indices = #map}, {transform_indices = #map1}, {transform_indices = #map2}, {transform_indices = #map}]} {
    %mul3A = arith.constant 2 : i32
    %mul3A_0 = arith.muli %arg1, %mul3A : i32
    %add3A = arith.addi %mul3A_0, %arg0 : i32
    %mul3A_1 = arith.constant 632 : i32
    %mul3A_2 = arith.muli %arg1, %mul3A_1 : i32
    "tpu.region"() ({
      %run_scoped3A = tpu.sem_alloc : memref<!tpu.dma_semaphore, #tpu.memory_space<semaphore_mem>>
      tpu.enqueue_dma source(%arg5 : memref<128x128xf32, #tpu.memory_space<hbm>>) target(%arg11 : memref<128x128xf32, #tpu.memory_space<vmem>>) target_semaphore(%run_scoped3A : memref<!tpu.dma_semaphore, #tpu.memory_space<semaphore_mem>>)
      tpu.wait_dma2 semaphore(%run_scoped3A : memref<!tpu.dma_semaphore, #tpu.memory_space<semaphore_mem>>) src(%arg5 : memref<128x128xf32, #tpu.memory_space<hbm>>) dst(%arg11 : memref<128x128xf32, #tpu.memory_space<vmem>>)
      tpu.yield
    }) : () -> ()
    %add3A_3 = arith.constant 0 : i32
    %add3A_4 = arith.addi %mul3A_2, %add3A_3 : i32
    %multiple_of3A = tpu.assume_multiple %add3A_4, 8 : i32
    "tpu.region"() ({
      %run_scoped3A = tpu.sem_alloc : memref<!tpu.dma_semaphore, #tpu.memory_space<semaphore_mem>>
      %dma_start3A = arith.constant 0 : i32
      %dma_start3A_39 = arith.constant 0 : i32
      %dma_start3A_40 = tpu.memref_slice %arg11[%dma_start3A, %dma_start3A_39] : memref<128x128xf32, #tpu.memory_space<vmem>> -> memref<128x128xf32, #tpu.memory_space<vmem>>
      %dma_start3A_41 = arith.constant 0 : i32
      %dma_start3A_42 = tpu.memref_slice %arg13[%multiple_of3A, %dma_start3A_41] : memref<10112x128xf32, #tpu.memory_space<vmem_shared>> -> memref<128x128xf32, #tpu.memory_space<vmem_shared>>
      %dma_start3A_43 = arith.constant 0 : i32
      %dma_start3A_44 = tpu.memref_slice %arg13[%multiple_of3A, %dma_start3A_43] : memref<10112x128xf32, #tpu.memory_space<vmem_shared>> -> memref<128x128xf32, #tpu.memory_space<vmem_shared>>
      %dma_start3A_45 = arith.constant 0 : i32
      %dma_start3A_46 = arith.constant 0 : i32
      %dma_start3A_47 = tpu.memref_slice %arg11[%dma_start3A_45, %dma_start3A_46] : memref<128x128xf32, #tpu.memory_space<vmem>> -> memref<128x128xf32, #tpu.memory_space<vmem>>
      tpu.enqueue_dma source(%dma_start3A_47 : memref<128x128xf32, #tpu.memory_space<vmem>>) target(%dma_start3A_44 : memref<128x128xf32, #tpu.memory_space<vmem_shared>>) target_semaphore(%run_scoped3A : memref<!tpu.dma_semaphore, #tpu.memory_space<semaphore_mem>>)
      %dma_wait3A = arith.constant 0 : i32
      %dma_wait3A_48 = arith.constant 0 : i32
      %dma_wait3A_49 = tpu.memref_slice %arg11[%dma_wait3A, %dma_wait3A_48] : memref<128x128xf32, #tpu.memory_space<vmem>> -> memref<128x128xf32, #tpu.memory_space<vmem>>
      %dma_wait3A_50 = arith.constant 0 : i32
      %dma_wait3A_51 = tpu.memref_slice %arg13[%multiple_of3A, %dma_wait3A_50] : memref<10112x128xf32, #tpu.memory_space<vmem_shared>> -> memref<128x128xf32, #tpu.memory_space<vmem_shared>>
      %dma_wait3A_52 = arith.constant 0 : i32
      %dma_wait3A_53 = tpu.memref_slice %arg13[%multiple_of3A, %dma_wait3A_52] : memref<10112x128xf32, #tpu.memory_space<vmem_shared>> -> memref<128x128xf32, #tpu.memory_space<vmem_shared>>
      %dma_wait3A_54 = arith.constant 0 : i32
      %dma_wait3A_55 = arith.constant 0 : i32
      %dma_wait3A_56 = tpu.memref_slice %arg11[%dma_wait3A_54, %dma_wait3A_55] : memref<128x128xf32, #tpu.memory_space<vmem>> -> memref<128x128xf32, #tpu.memory_space<vmem>>
      tpu.wait_dma2 semaphore(%run_scoped3A : memref<!tpu.dma_semaphore, #tpu.memory_space<semaphore_mem>>) src(%dma_wait3A_56 : memref<128x128xf32, #tpu.memory_space<vmem>>) dst(%dma_wait3A_53 : memref<128x128xf32, #tpu.memory_space<vmem_shared>>)
      tpu.yield
    }) : () -> ()
    %add3A_5 = arith.constant 128 : i32
    %add3A_6 = arith.addi %mul3A_2, %add3A_5 : i32
    %multiple_of3A_7 = tpu.assume_multiple %add3A_6, 8 : i32
    "tpu.region"() ({
      %run_scoped3A = tpu.sem_alloc : memref<!tpu.dma_semaphore, #tpu.memory_space<semaphore_mem>>
      %dma_start3A = arith.constant 0 : i32
      %dma_start3A_39 = arith.constant 0 : i32
      %dma_start3A_40 = tpu.memref_slice %arg11[%dma_start3A, %dma_start3A_39] : memref<128x128xf32, #tpu.memory_space<vmem>> -> memref<128x128xf32, #tpu.memory_space<vmem>>
      %dma_start3A_41 = arith.constant 0 : i32
      %dma_start3A_42 = tpu.memref_slice %arg13[%multiple_of3A_7, %dma_start3A_41] : memref<10112x128xf32, #tpu.memory_space<vmem_shared>> -> memref<128x128xf32, #tpu.memory_space<vmem_shared>>
      %dma_start3A_43 = arith.constant 0 : i32
      %dma_start3A_44 = tpu.memref_slice %arg13[%multiple_of3A_7, %dma_start3A_43] : memref<10112x128xf32, #tpu.memory_space<vmem_shared>> -> memref<128x128xf32, #tpu.memory_space<vmem_shared>>
      %dma_start3A_45 = arith.constant 0 : i32
      %dma_start3A_46 = arith.constant 0 : i32
      %dma_start3A_47 = tpu.memref_slice %arg11[%dma_start3A_45, %dma_start3A_46] : memref<128x128xf32, #tpu.memory_space<vmem>> -> memref<128x128xf32, #tpu.memory_space<vmem>>
      tpu.enqueue_dma source(%dma_start3A_47 : memref<128x128xf32, #tpu.memory_space<vmem>>) target(%dma_start3A_44 : memref<128x128xf32, #tpu.memory_space<vmem_shared>>) target_semaphore(%run_scoped3A : memref<!tpu.dma_semaphore, #tpu.memory_space<semaphore_mem>>)
      %dma_wait3A = arith.constant 0 : i32
      %dma_wait3A_48 = arith.constant 0 : i32
      %dma_wait3A_49 = tpu.memref_slice %arg11[%dma_wait3A, %dma_wait3A_48] : memref<128x128xf32, #tpu.memory_space<vmem>> -> memref<128x128xf32, #tpu.memory_space<vmem>>
      %dma_wait3A_50 = arith.constant 0 : i32
      %dma_wait3A_51 = tpu.memref_slice %arg13[%multiple_of3A_7, %dma_wait3A_50] : memref<10112x128xf32, #tpu.memory_space<vmem_shared>> -> memref<128x128xf32, #tpu.memory_space<vmem_shared>>
      %dma_wait3A_52 = arith.constant 0 : i32
      %dma_wait3A_53 = tpu.memref_slice %arg13[%multiple_of3A_7, %dma_wait3A_52] : memref<10112x128xf32, #tpu.memory_space<vmem_shared>> -> memref<128x128xf32, #tpu.memory_space<vmem_shared>>
      %dma_wait3A_54 = arith.constant 0 : i32
      %dma_wait3A_55 = arith.constant 0 : i32
      %dma_wait3A_56 = tpu.memref_slice %arg11[%dma_wait3A_54, %dma_wait3A_55] : memref<128x128xf32, #tpu.memory_space<vmem>> -> memref<128x128xf32, #tpu.memory_space<vmem>>
      tpu.wait_dma2 semaphore(%run_scoped3A : memref<!tpu.dma_semaphore, #tpu.memory_space<semaphore_mem>>) src(%dma_wait3A_56 : memref<128x128xf32, #tpu.memory_space<vmem>>) dst(%dma_wait3A_53 : memref<128x128xf32, #tpu.memory_space<vmem_shared>>)
      tpu.yield
    }) : () -> ()
    %add3A_8 = arith.constant 256 : i32
    %add3A_9 = arith.addi %mul3A_2, %add3A_8 : i32
    %multiple_of3A_10 = tpu.assume_multiple %add3A_9, 8 : i32
    "tpu.region"() ({
      %run_scoped3A = tpu.sem_alloc : memref<!tpu.dma_semaphore, #tpu.memory_space<semaphore_mem>>
      %dma_start3A = arith.constant 0 : i32
      %dma_start3A_39 = arith.constant 0 : i32
      %dma_start3A_40 = tpu.memref_slice %arg11[%dma_start3A, %dma_start3A_39] : memref<128x128xf32, #tpu.memory_space<vmem>> -> memref<128x128xf32, #tpu.memory_space<vmem>>
      %dma_start3A_41 = arith.constant 0 : i32
      %dma_start3A_42 = tpu.memref_slice %arg13[%multiple_of3A_10, %dma_start3A_41] : memref<10112x128xf32, #tpu.memory_space<vmem_shared>> -> memref<128x128xf32, #tpu.memory_space<vmem_shared>>
      %dma_start3A_43 = arith.constant 0 : i32
      %dma_start3A_44 = tpu.memref_slice %arg13[%multiple_of3A_10, %dma_start3A_43] : memref<10112x128xf32, #tpu.memory_space<vmem_shared>> -> memref<128x128xf32, #tpu.memory_space<vmem_shared>>
      %dma_start3A_45 = arith.constant 0 : i32
      %dma_start3A_46 = arith.constant 0 : i32
      %dma_start3A_47 = tpu.memref_slice %arg11[%dma_start3A_45, %dma_start3A_46] : memref<128x128xf32, #tpu.memory_space<vmem>> -> memref<128x128xf32, #tpu.memory_space<vmem>>
      tpu.enqueue_dma source(%dma_start3A_47 : memref<128x128xf32, #tpu.memory_space<vmem>>) target(%dma_start3A_44 : memref<128x128xf32, #tpu.memory_space<vmem_shared>>) target_semaphore(%run_scoped3A : memref<!tpu.dma_semaphore, #tpu.memory_space<semaphore_mem>>)
      %dma_wait3A = arith.constant 0 : i32
      %dma_wait3A_48 = arith.constant 0 : i32
      %dma_wait3A_49 = tpu.memref_slice %arg11[%dma_wait3A, %dma_wait3A_48] : memref<128x128xf32, #tpu.memory_space<vmem>> -> memref<128x128xf32, #tpu.memory_space<vmem>>
      %dma_wait3A_50 = arith.constant 0 : i32
      %dma_wait3A_51 = tpu.memref_slice %arg13[%multiple_of3A_10, %dma_wait3A_50] : memref<10112x128xf32, #tpu.memory_space<vmem_shared>> -> memref<128x128xf32, #tpu.memory_space<vmem_shared>>
      %dma_wait3A_52 = arith.constant 0 : i32
      %dma_wait3A_53 = tpu.memref_slice %arg13[%multiple_of3A_10, %dma_wait3A_52] : memref<10112x128xf32, #tpu.memory_space<vmem_shared>> -> memref<128x128xf32, #tpu.memory_space<vmem_shared>>
      %dma_wait3A_54 = arith.constant 0 : i32
      %dma_wait3A_55 = arith.constant 0 : i32
      %dma_wait3A_56 = tpu.memref_slice %arg11[%dma_wait3A_54, %dma_wait3A_55] : memref<128x128xf32, #tpu.memory_space<vmem>> -> memref<128x128xf32, #tpu.memory_space<vmem>>
      tpu.wait_dma2 semaphore(%run_scoped3A : memref<!tpu.dma_semaphore, #tpu.memory_space<semaphore_mem>>) src(%dma_wait3A_56 : memref<128x128xf32, #tpu.memory_space<vmem>>) dst(%dma_wait3A_53 : memref<128x128xf32, #tpu.memory_space<vmem_shared>>)
      tpu.yield
    }) : () -> ()
    %add3A_11 = arith.constant 384 : i32
    %add3A_12 = arith.addi %mul3A_2, %add3A_11 : i32
    %multiple_of3A_13 = tpu.assume_multiple %add3A_12, 8 : i32
    "tpu.region"() ({
      %run_scoped3A = tpu.sem_alloc : memref<!tpu.dma_semaphore, #tpu.memory_space<semaphore_mem>>
      %dma_start3A = arith.constant 0 : i32
      %dma_start3A_39 = arith.constant 0 : i32
      %dma_start3A_40 = tpu.memref_slice %arg11[%dma_start3A, %dma_start3A_39] : memref<128x128xf32, #tpu.memory_space<vmem>> -> memref<128x128xf32, #tpu.memory_space<vmem>>
      %dma_start3A_41 = arith.constant 0 : i32
      %dma_start3A_42 = tpu.memref_slice %arg13[%multiple_of3A_13, %dma_start3A_41] : memref<10112x128xf32, #tpu.memory_space<vmem_shared>> -> memref<128x128xf32, #tpu.memory_space<vmem_shared>>
      %dma_start3A_43 = arith.constant 0 : i32
      %dma_start3A_44 = tpu.memref_slice %arg13[%multiple_of3A_13, %dma_start3A_43] : memref<10112x128xf32, #tpu.memory_space<vmem_shared>> -> memref<128x128xf32, #tpu.memory_space<vmem_shared>>
      %dma_start3A_45 = arith.constant 0 : i32
      %dma_start3A_46 = arith.constant 0 : i32
      %dma_start3A_47 = tpu.memref_slice %arg11[%dma_start3A_45, %dma_start3A_46] : memref<128x128xf32, #tpu.memory_space<vmem>> -> memref<128x128xf32, #tpu.memory_space<vmem>>
      tpu.enqueue_dma source(%dma_start3A_47 : memref<128x128xf32, #tpu.memory_space<vmem>>) target(%dma_start3A_44 : memref<128x128xf32, #tpu.memory_space<vmem_shared>>) target_semaphore(%run_scoped3A : memref<!tpu.dma_semaphore, #tpu.memory_space<semaphore_mem>>)
      %dma_wait3A = arith.constant 0 : i32
      %dma_wait3A_48 = arith.constant 0 : i32
      %dma_wait3A_49 = tpu.memref_slice %arg11[%dma_wait3A, %dma_wait3A_48] : memref<128x128xf32, #tpu.memory_space<vmem>> -> memref<128x128xf32, #tpu.memory_space<vmem>>
      %dma_wait3A_50 = arith.constant 0 : i32
      %dma_wait3A_51 = tpu.memref_slice %arg13[%multiple_of3A_13, %dma_wait3A_50] : memref<10112x128xf32, #tpu.memory_space<vmem_shared>> -> memref<128x128xf32, #tpu.memory_space<vmem_shared>>
      %dma_wait3A_52 = arith.constant 0 : i32
      %dma_wait3A_53 = tpu.memref_slice %arg13[%multiple_of3A_13, %dma_wait3A_52] : memref<10112x128xf32, #tpu.memory_space<vmem_shared>> -> memref<128x128xf32, #tpu.memory_space<vmem_shared>>
      %dma_wait3A_54 = arith.constant 0 : i32
      %dma_wait3A_55 = arith.constant 0 : i32
      %dma_wait3A_56 = tpu.memref_slice %arg11[%dma_wait3A_54, %dma_wait3A_55] : memref<128x128xf32, #tpu.memory_space<vmem>> -> memref<128x128xf32, #tpu.memory_space<vmem>>
      tpu.wait_dma2 semaphore(%run_scoped3A : memref<!tpu.dma_semaphore, #tpu.memory_space<semaphore_mem>>) src(%dma_wait3A_56 : memref<128x128xf32, #tpu.memory_space<vmem>>) dst(%dma_wait3A_53 : memref<128x128xf32, #tpu.memory_space<vmem_shared>>)
      tpu.yield
    }) : () -> ()
    %add3A_14 = arith.constant 512 : i32
    %add3A_15 = arith.addi %mul3A_2, %add3A_14 : i32
    %multiple_of3A_16 = tpu.assume_multiple %add3A_15, 8 : i32
    "tpu.region"() ({
      %run_scoped3A = tpu.sem_alloc : memref<!tpu.dma_semaphore, #tpu.memory_space<semaphore_mem>>
      %dma_start3A = arith.constant 0 : i32
      %dma_start3A_39 = arith.constant 0 : i32
      %dma_start3A_40 = tpu.memref_slice %arg11[%dma_start3A, %dma_start3A_39] : memref<128x128xf32, #tpu.memory_space<vmem>> -> memref<120x128xf32, #tpu.memory_space<vmem>>
      %dma_start3A_41 = arith.constant 0 : i32
      %dma_start3A_42 = tpu.memref_slice %arg13[%multiple_of3A_16, %dma_start3A_41] : memref<10112x128xf32, #tpu.memory_space<vmem_shared>> -> memref<120x128xf32, #tpu.memory_space<vmem_shared>>
      %dma_start3A_43 = arith.constant 0 : i32
      %dma_start3A_44 = tpu.memref_slice %arg13[%multiple_of3A_16, %dma_start3A_43] : memref<10112x128xf32, #tpu.memory_space<vmem_shared>> -> memref<120x128xf32, #tpu.memory_space<vmem_shared>>
      %dma_start3A_45 = arith.constant 0 : i32
      %dma_start3A_46 = arith.constant 0 : i32
      %dma_start3A_47 = tpu.memref_slice %arg11[%dma_start3A_45, %dma_start3A_46] : memref<128x128xf32, #tpu.memory_space<vmem>> -> memref<120x128xf32, #tpu.memory_space<vmem>>
      tpu.enqueue_dma source(%dma_start3A_47 : memref<120x128xf32, #tpu.memory_space<vmem>>) target(%dma_start3A_44 : memref<120x128xf32, #tpu.memory_space<vmem_shared>>) target_semaphore(%run_scoped3A : memref<!tpu.dma_semaphore, #tpu.memory_space<semaphore_mem>>)
      %dma_wait3A = arith.constant 0 : i32
      %dma_wait3A_48 = arith.constant 0 : i32
      %dma_wait3A_49 = tpu.memref_slice %arg11[%dma_wait3A, %dma_wait3A_48] : memref<128x128xf32, #tpu.memory_space<vmem>> -> memref<120x128xf32, #tpu.memory_space<vmem>>
      %dma_wait3A_50 = arith.constant 0 : i32
      %dma_wait3A_51 = tpu.memref_slice %arg13[%multiple_of3A_16, %dma_wait3A_50] : memref<10112x128xf32, #tpu.memory_space<vmem_shared>> -> memref<120x128xf32, #tpu.memory_space<vmem_shared>>
      %dma_wait3A_52 = arith.constant 0 : i32
      %dma_wait3A_53 = tpu.memref_slice %arg13[%multiple_of3A_16, %dma_wait3A_52] : memref<10112x128xf32, #tpu.memory_space<vmem_shared>> -> memref<120x128xf32, #tpu.memory_space<vmem_shared>>
      %dma_wait3A_54 = arith.constant 0 : i32
      %dma_wait3A_55 = arith.constant 0 : i32
      %dma_wait3A_56 = tpu.memref_slice %arg11[%dma_wait3A_54, %dma_wait3A_55] : memref<128x128xf32, #tpu.memory_space<vmem>> -> memref<120x128xf32, #tpu.memory_space<vmem>>
      tpu.wait_dma2 semaphore(%run_scoped3A : memref<!tpu.dma_semaphore, #tpu.memory_space<semaphore_mem>>) src(%dma_wait3A_56 : memref<120x128xf32, #tpu.memory_space<vmem>>) dst(%dma_wait3A_53 : memref<120x128xf32, #tpu.memory_space<vmem_shared>>)
      tpu.yield
    }) : () -> ()
    "tpu.region"() ({
      %run_scoped3A = tpu.sem_alloc : memref<!tpu.dma_semaphore, #tpu.memory_space<semaphore_mem>>
      tpu.enqueue_dma source(%arg6 : memref<10112xf32, #tpu.memory_space<hbm>>) target(%arg12 : memref<10112xf32, #tpu.memory_space<vmem>>) target_semaphore(%run_scoped3A : memref<!tpu.dma_semaphore, #tpu.memory_space<semaphore_mem>>)
      tpu.wait_dma2 semaphore(%run_scoped3A : memref<!tpu.dma_semaphore, #tpu.memory_space<semaphore_mem>>) src(%arg6 : memref<10112xf32, #tpu.memory_space<hbm>>) dst(%arg12 : memref<10112xf32, #tpu.memory_space<vmem>>)
      tpu.yield
    }) : () -> ()
    %barrier3A = arith.constant 0 : index
    tpu.barrier barrier_id(%barrier3A)
    %broadcast_in_dim3A = arith.constant 1.000000e+00 : f32
    %broadcast_in_dim3A_17 = vector.broadcast %broadcast_in_dim3A : f32 to vector<16xf32>
    %scan3A = arith.constant 0 : i32
    %scan3A_18 = arith.constant 0 : i32
    %scan3A_19 = arith.constant 79 : i32
    %scan3A_20 = arith.addi %scan3A_18, %scan3A_19 : i32
    %scan3A_21 = arith.constant 1 : i32
    scf.for %scan3A_39 = %scan3A_18 to %scan3A_20 step %scan3A_21  : i32 {
      %mul3A_40 = arith.constant 10112 : i32
      %mul3A_41 = arith.muli %add3A, %mul3A_40 : i32
      %mul3A_42 = arith.constant 128 : i32
      %mul3A_43 = arith.muli %scan3A_39, %mul3A_42 : i32
      %add3A_44 = arith.addi %mul3A_41, %mul3A_43 : i32
      %multiple_of3A_45 = tpu.assume_multiple %add3A_44, 128 : i32
      "tpu.region"() ({
        %run_scoped3A = tpu.sem_alloc : memref<!tpu.dma_semaphore, #tpu.memory_space<semaphore_mem>>
        %dma_start3A_65 = tpu.memref_slice %arg3[%multiple_of3A_45] : memref<323584xi32, #tpu.memory_space<hbm>> -> memref<128xi32, #tpu.memory_space<hbm>>
        %dma_start3A_66 = tpu.memref_slice %arg3[%multiple_of3A_45] : memref<323584xi32, #tpu.memory_space<hbm>> -> memref<128xi32, #tpu.memory_space<hbm>>
        tpu.enqueue_dma source(%dma_start3A_66 : memref<128xi32, #tpu.memory_space<hbm>>) target(%arg9 : memref<128xi32, #tpu.memory_space<vmem>>) target_semaphore(%run_scoped3A : memref<!tpu.dma_semaphore, #tpu.memory_space<semaphore_mem>>)
        %dma_wait3A_67 = tpu.memref_slice %arg3[%multiple_of3A_45] : memref<323584xi32, #tpu.memory_space<hbm>> -> memref<128xi32, #tpu.memory_space<hbm>>
        %dma_wait3A_68 = tpu.memref_slice %arg3[%multiple_of3A_45] : memref<323584xi32, #tpu.memory_space<hbm>> -> memref<128xi32, #tpu.memory_space<hbm>>
        tpu.wait_dma2 semaphore(%run_scoped3A : memref<!tpu.dma_semaphore, #tpu.memory_space<semaphore_mem>>) src(%dma_wait3A_68 : memref<128xi32, #tpu.memory_space<hbm>>) dst(%arg9 : memref<128xi32, #tpu.memory_space<vmem>>)
        tpu.yield
      }) : () -> ()
      "tpu.region"() ({
        %run_scoped3A = tpu.sem_alloc : memref<!tpu.dma_semaphore, #tpu.memory_space<semaphore_mem>>
        %dma_start3A_65 = tpu.memref_slice %arg4[%multiple_of3A_45] : memref<323584xi32, #tpu.memory_space<hbm>> -> memref<128xi32, #tpu.memory_space<hbm>>
        %dma_start3A_66 = tpu.memref_slice %arg4[%multiple_of3A_45] : memref<323584xi32, #tpu.memory_space<hbm>> -> memref<128xi32, #tpu.memory_space<hbm>>
        tpu.enqueue_dma source(%dma_start3A_66 : memref<128xi32, #tpu.memory_space<hbm>>) target(%arg10 : memref<128xi32, #tpu.memory_space<vmem>>) target_semaphore(%run_scoped3A : memref<!tpu.dma_semaphore, #tpu.memory_space<semaphore_mem>>)
        %dma_wait3A_67 = tpu.memref_slice %arg4[%multiple_of3A_45] : memref<323584xi32, #tpu.memory_space<hbm>> -> memref<128xi32, #tpu.memory_space<hbm>>
        %dma_wait3A_68 = tpu.memref_slice %arg4[%multiple_of3A_45] : memref<323584xi32, #tpu.memory_space<hbm>> -> memref<128xi32, #tpu.memory_space<hbm>>
        tpu.wait_dma2 semaphore(%run_scoped3A : memref<!tpu.dma_semaphore, #tpu.memory_space<semaphore_mem>>) src(%dma_wait3A_68 : memref<128xi32, #tpu.memory_space<hbm>>) dst(%arg10 : memref<128xi32, #tpu.memory_space<vmem>>)
        tpu.yield
      }) : () -> ()
      %dma_start3A = arith.constant 0 : i32
      %dma_start3A_46 = arith.constant 0 : i32
      %dma_start3A_47 = tpu.memref_slice %arg2[%dma_start3A, %dma_start3A_46] : memref<10000x128xf32, #tpu.memory_space<hbm>> -> memref<10000x128xf32, #tpu.memory_space<hbm>>
      tpu.enqueue_indirect_dma source(%dma_start3A_47 : memref<10000x128xf32, #tpu.memory_space<hbm>>) target(%arg11 : memref<128x128xf32, #tpu.memory_space<vmem>>) offsets(%arg9 : memref<128xi32, #tpu.memory_space<vmem>>) semaphore(%arg14 : memref<!tpu.dma_semaphore, #tpu.memory_space<semaphore_mem>>)
      %dma_wait3A = arith.constant 0 : i32
      %dma_wait3A_48 = arith.constant 0 : i32
      %dma_wait3A_49 = tpu.memref_slice %arg2[%dma_wait3A, %dma_wait3A_48] : memref<10000x128xf32, #tpu.memory_space<hbm>> -> memref<10000x128xf32, #tpu.memory_space<hbm>>
      tpu.wait_indirect_dma semaphore(%arg14 : memref<!tpu.dma_semaphore, #tpu.memory_space<semaphore_mem>>) src(%dma_wait3A_49 : memref<10000x128xf32, #tpu.memory_space<hbm>>) dst(%arg11 : memref<128x128xf32, #tpu.memory_space<vmem>>)
      "tpu.region"() ({
        %run_scoped3A = tpu.sem_alloc : memref<!tpu.dma_semaphore, #tpu.memory_space<semaphore_mem>>
        %dma_start3A_65 = arith.constant 0 : i32
        %dma_start3A_66 = arith.constant 0 : i32
        %dma_start3A_67 = tpu.memref_slice %arg13[%dma_start3A_65, %dma_start3A_66] : memref<10112x128xf32, #tpu.memory_space<vmem_shared>> -> memref<10112x128xf32, #tpu.memory_space<vmem_shared>>
        tpu.enqueue_indirect_dma source(%arg11 : memref<128x128xf32, #tpu.memory_space<vmem>>) target(%dma_start3A_67 : memref<10112x128xf32, #tpu.memory_space<vmem_shared>>) offsets(%arg10 : memref<128xi32, #tpu.memory_space<vmem>>) semaphore(%run_scoped3A : memref<!tpu.dma_semaphore, #tpu.memory_space<semaphore_mem>>) {add = true}
        %dma_wait3A_68 = arith.constant 0 : i32
        %dma_wait3A_69 = arith.constant 0 : i32
        %dma_wait3A_70 = tpu.memref_slice %arg13[%dma_wait3A_68, %dma_wait3A_69] : memref<10112x128xf32, #tpu.memory_space<vmem_shared>> -> memref<10112x128xf32, #tpu.memory_space<vmem_shared>>
        tpu.wait_indirect_dma semaphore(%run_scoped3A : memref<!tpu.dma_semaphore, #tpu.memory_space<semaphore_mem>>) src(%arg11 : memref<128x128xf32, #tpu.memory_space<vmem>>) dst(%dma_wait3A_70 : memref<10112x128xf32, #tpu.memory_space<vmem_shared>>)
        tpu.yield
      }) : () -> ()
      %get3A = arith.constant 0 : index
      %get3A_50 = tpu.vector_load %arg10[%get3A] {strides = array<i32>} : memref<128xi32, #tpu.memory_space<vmem>>, vector<16xi32>,
      tpu.vector_store_idx %arg12[%get3A_50], %broadcast_in_dim3A_17 {add = true} : memref<10112xf32, #tpu.memory_space<vmem>>[vector<16xi32>], vector<16xf32>,
      %get3A_51 = arith.constant 16 : index
      %get3A_52 = tpu.vector_load %arg10[%get3A_51] {strides = array<i32>} : memref<128xi32, #tpu.memory_space<vmem>>, vector<16xi32>,
      tpu.vector_store_idx %arg12[%get3A_52], %broadcast_in_dim3A_17 {add = true} : memref<10112xf32, #tpu.memory_space<vmem>>[vector<16xi32>], vector<16xf32>,
      %get3A_53 = arith.constant 32 : index
      %get3A_54 = tpu.vector_load %arg10[%get3A_53] {strides = array<i32>} : memref<128xi32, #tpu.memory_space<vmem>>, vector<16xi32>,
      tpu.vector_store_idx %arg12[%get3A_54], %broadcast_in_dim3A_17 {add = true} : memref<10112xf32, #tpu.memory_space<vmem>>[vector<16xi32>], vector<16xf32>,
      %get3A_55 = arith.constant 48 : index
      %get3A_56 = tpu.vector_load %arg10[%get3A_55] {strides = array<i32>} : memref<128xi32, #tpu.memory_space<vmem>>, vector<16xi32>,
      tpu.vector_store_idx %arg12[%get3A_56], %broadcast_in_dim3A_17 {add = true} : memref<10112xf32, #tpu.memory_space<vmem>>[vector<16xi32>], vector<16xf32>,
      %get3A_57 = arith.constant 64 : index
      %get3A_58 = tpu.vector_load %arg10[%get3A_57] {strides = array<i32>} : memref<128xi32, #tpu.memory_space<vmem>>, vector<16xi32>,
      tpu.vector_store_idx %arg12[%get3A_58], %broadcast_in_dim3A_17 {add = true} : memref<10112xf32, #tpu.memory_space<vmem>>[vector<16xi32>], vector<16xf32>,
      %get3A_59 = arith.constant 80 : index
      %get3A_60 = tpu.vector_load %arg10[%get3A_59] {strides = array<i32>} : memref<128xi32, #tpu.memory_space<vmem>>, vector<16xi32>,
      tpu.vector_store_idx %arg12[%get3A_60], %broadcast_in_dim3A_17 {add = true} : memref<10112xf32, #tpu.memory_space<vmem>>[vector<16xi32>], vector<16xf32>,
      %get3A_61 = arith.constant 96 : index
      %get3A_62 = tpu.vector_load %arg10[%get3A_61] {strides = array<i32>} : memref<128xi32, #tpu.memory_space<vmem>>, vector<16xi32>,
      tpu.vector_store_idx %arg12[%get3A_62], %broadcast_in_dim3A_17 {add = true} : memref<10112xf32, #tpu.memory_space<vmem>>[vector<16xi32>], vector<16xf32>,
      %get3A_63 = arith.constant 112 : index
      %get3A_64 = tpu.vector_load %arg10[%get3A_63] {strides = array<i32>} : memref<128xi32, #tpu.memory_space<vmem>>, vector<16xi32>,
      tpu.vector_store_idx %arg12[%get3A_64], %broadcast_in_dim3A_17 {add = true} : memref<10112xf32, #tpu.memory_space<vmem>>[vector<16xi32>], vector<16xf32>,
    }
    %scan3A_22 = arith.constant 79 : i32
    %barrier3A_23 = arith.constant 0 : index
    tpu.barrier barrier_id(%barrier3A_23)
    %add3A_24 = arith.constant 0 : i32
    %add3A_25 = arith.addi %mul3A_2, %add3A_24 : i32
    %multiple_of3A_26 = tpu.assume_multiple %add3A_25, 8 : i32
    "tpu.region"() ({
      %run_scoped3A = tpu.sem_alloc : memref<!tpu.dma_semaphore, #tpu.memory_space<semaphore_mem>>
      %dma_start3A = arith.constant 0 : i32
      %dma_start3A_39 = arith.constant 0 : i32
      %dma_start3A_40 = tpu.memref_slice %arg11[%dma_start3A, %dma_start3A_39] : memref<128x128xf32, #tpu.memory_space<vmem>> -> memref<128x128xf32, #tpu.memory_space<vmem>>
      %dma_start3A_41 = arith.constant 0 : i32
      %dma_start3A_42 = tpu.memref_slice %arg13[%multiple_of3A_26, %dma_start3A_41] : memref<10112x128xf32, #tpu.memory_space<vmem_shared>> -> memref<128x128xf32, #tpu.memory_space<vmem_shared>>
      %dma_start3A_43 = arith.constant 0 : i32
      %dma_start3A_44 = arith.constant 0 : i32
      %dma_start3A_45 = tpu.memref_slice %arg11[%dma_start3A_43, %dma_start3A_44] : memref<128x128xf32, #tpu.memory_space<vmem>> -> memref<128x128xf32, #tpu.memory_space<vmem>>
      %dma_start3A_46 = arith.constant 0 : i32
      %dma_start3A_47 = tpu.memref_slice %arg13[%multiple_of3A_26, %dma_start3A_46] : memref<10112x128xf32, #tpu.memory_space<vmem_shared>> -> memref<128x128xf32, #tpu.memory_space<vmem_shared>>
      tpu.enqueue_dma source(%dma_start3A_47 : memref<128x128xf32, #tpu.memory_space<vmem_shared>>) target(%dma_start3A_45 : memref<128x128xf32, #tpu.memory_space<vmem>>) target_semaphore(%run_scoped3A : memref<!tpu.dma_semaphore, #tpu.memory_space<semaphore_mem>>)
      %dma_wait3A = arith.constant 0 : i32
      %dma_wait3A_48 = arith.constant 0 : i32
      %dma_wait3A_49 = tpu.memref_slice %arg11[%dma_wait3A, %dma_wait3A_48] : memref<128x128xf32, #tpu.memory_space<vmem>> -> memref<128x128xf32, #tpu.memory_space<vmem>>
      %dma_wait3A_50 = arith.constant 0 : i32
      %dma_wait3A_51 = tpu.memref_slice %arg13[%multiple_of3A_26, %dma_wait3A_50] : memref<10112x128xf32, #tpu.memory_space<vmem_shared>> -> memref<128x128xf32, #tpu.memory_space<vmem_shared>>
      %dma_wait3A_52 = arith.constant 0 : i32
      %dma_wait3A_53 = arith.constant 0 : i32
      %dma_wait3A_54 = tpu.memref_slice %arg11[%dma_wait3A_52, %dma_wait3A_53] : memref<128x128xf32, #tpu.memory_space<vmem>> -> memref<128x128xf32, #tpu.memory_space<vmem>>
      %dma_wait3A_55 = arith.constant 0 : i32
      %dma_wait3A_56 = tpu.memref_slice %arg13[%multiple_of3A_26, %dma_wait3A_55] : memref<10112x128xf32, #tpu.memory_space<vmem_shared>> -> memref<128x128xf32, #tpu.memory_space<vmem_shared>>
      tpu.wait_dma2 semaphore(%run_scoped3A : memref<!tpu.dma_semaphore, #tpu.memory_space<semaphore_mem>>) src(%dma_wait3A_56 : memref<128x128xf32, #tpu.memory_space<vmem_shared>>) dst(%dma_wait3A_54 : memref<128x128xf32, #tpu.memory_space<vmem>>)
      tpu.yield
    }) : () -> ()
    "tpu.region"() ({
      %run_scoped3A = tpu.sem_alloc : memref<!tpu.dma_semaphore, #tpu.memory_space<semaphore_mem>>
      %dma_start3A = arith.constant 0 : i32
      %dma_start3A_39 = arith.constant 0 : i32
      %dma_start3A_40 = tpu.memref_slice %arg11[%dma_start3A, %dma_start3A_39] : memref<128x128xf32, #tpu.memory_space<vmem>> -> memref<128x128xf32, #tpu.memory_space<vmem>>
      %dma_start3A_41 = arith.constant 0 : i32
      %dma_start3A_42 = arith.constant 0 : i32
      %dma_start3A_43 = tpu.memref_slice %arg7[%arg0, %dma_start3A_41, %dma_start3A_42] : memref<2x10112x128xf32, #tpu.memory_space<hbm>> -> memref<1x10112x128xf32, #tpu.memory_space<hbm>>
      %dma_start3A_44 = tpu.memref_squeeze %dma_start3A_43 : memref<1x10112x128xf32, #tpu.memory_space<hbm>> -> memref<10112x128xf32, #tpu.memory_space<hbm>>
      %dma_start3A_45 = arith.constant 0 : i32
      %dma_start3A_46 = tpu.memref_slice %dma_start3A_44[%multiple_of3A_26, %dma_start3A_45] : memref<10112x128xf32, #tpu.memory_space<hbm>> -> memref<128x128xf32, #tpu.memory_space<hbm>>
      %dma_start3A_47 = arith.constant 0 : i32
      %dma_start3A_48 = arith.constant 0 : i32
      %dma_start3A_49 = tpu.memref_slice %arg7[%arg0, %dma_start3A_47, %dma_start3A_48] : memref<2x10112x128xf32, #tpu.memory_space<hbm>> -> memref<1x10112x128xf32, #tpu.memory_space<hbm>>
      %dma_start3A_50 = tpu.memref_squeeze %dma_start3A_49 : memref<1x10112x128xf32, #tpu.memory_space<hbm>> -> memref<10112x128xf32, #tpu.memory_space<hbm>>
      %dma_start3A_51 = arith.constant 0 : i32
      %dma_start3A_52 = tpu.memref_slice %dma_start3A_50[%multiple_of3A_26, %dma_start3A_51] : memref<10112x128xf32, #tpu.memory_space<hbm>> -> memref<128x128xf32, #tpu.memory_space<hbm>>
      %dma_start3A_53 = arith.constant 0 : i32
      %dma_start3A_54 = arith.constant 0 : i32
      %dma_start3A_55 = tpu.memref_slice %arg11[%dma_start3A_53, %dma_start3A_54] : memref<128x128xf32, #tpu.memory_space<vmem>> -> memref<128x128xf32, #tpu.memory_space<vmem>>
      tpu.enqueue_dma source(%dma_start3A_55 : memref<128x128xf32, #tpu.memory_space<vmem>>) target(%dma_start3A_52 : memref<128x128xf32, #tpu.memory_space<hbm>>) target_semaphore(%run_scoped3A : memref<!tpu.dma_semaphore, #tpu.memory_space<semaphore_mem>>)
      %dma_wait3A = arith.constant 0 : i32
      %dma_wait3A_56 = arith.constant 0 : i32
      %dma_wait3A_57 = tpu.memref_slice %arg11[%dma_wait3A, %dma_wait3A_56] : memref<128x128xf32, #tpu.memory_space<vmem>> -> memref<128x128xf32, #tpu.memory_space<vmem>>
      %dma_wait3A_58 = arith.constant 0 : i32
      %dma_wait3A_59 = arith.constant 0 : i32
      %dma_wait3A_60 = tpu.memref_slice %arg7[%arg0, %dma_wait3A_58, %dma_wait3A_59] : memref<2x10112x128xf32, #tpu.memory_space<hbm>> -> memref<1x10112x128xf32, #tpu.memory_space<hbm>>
      %dma_wait3A_61 = tpu.memref_squeeze %dma_wait3A_60 : memref<1x10112x128xf32, #tpu.memory_space<hbm>> -> memref<10112x128xf32, #tpu.memory_space<hbm>>
      %dma_wait3A_62 = arith.constant 0 : i32
      %dma_wait3A_63 = tpu.memref_slice %dma_wait3A_61[%multiple_of3A_26, %dma_wait3A_62] : memref<10112x128xf32, #tpu.memory_space<hbm>> -> memref<128x128xf32, #tpu.memory_space<hbm>>
      %dma_wait3A_64 = arith.constant 0 : i32
      %dma_wait3A_65 = arith.constant 0 : i32
      %dma_wait3A_66 = tpu.memref_slice %arg7[%arg0, %dma_wait3A_64, %dma_wait3A_65] : memref<2x10112x128xf32, #tpu.memory_space<hbm>> -> memref<1x10112x128xf32, #tpu.memory_space<hbm>>
      %dma_wait3A_67 = tpu.memref_squeeze %dma_wait3A_66 : memref<1x10112x128xf32, #tpu.memory_space<hbm>> -> memref<10112x128xf32, #tpu.memory_space<hbm>>
      %dma_wait3A_68 = arith.constant 0 : i32
      %dma_wait3A_69 = tpu.memref_slice %dma_wait3A_67[%multiple_of3A_26, %dma_wait3A_68] : memref<10112x128xf32, #tpu.memory_space<hbm>> -> memref<128x128xf32, #tpu.memory_space<hbm>>
      %dma_wait3A_70 = arith.constant 0 : i32
      %dma_wait3A_71 = arith.constant 0 : i32
      %dma_wait3A_72 = tpu.memref_slice %arg11[%dma_wait3A_70, %dma_wait3A_71] : memref<128x128xf32, #tpu.memory_space<vmem>> -> memref<128x128xf32, #tpu.memory_space<vmem>>
      tpu.wait_dma2 semaphore(%run_scoped3A : memref<!tpu.dma_semaphore, #tpu.memory_space<semaphore_mem>>) src(%dma_wait3A_72 : memref<128x128xf32, #tpu.memory_space<vmem>>) dst(%dma_wait3A_69 : memref<128x128xf32, #tpu.memory_space<hbm>>)
      tpu.yield
    }) : () -> ()
    %add3A_27 = arith.constant 128 : i32
    %add3A_28 = arith.addi %mul3A_2, %add3A_27 : i32
    %multiple_of3A_29 = tpu.assume_multiple %add3A_28, 8 : i32
    "tpu.region"() ({
      %run_scoped3A = tpu.sem_alloc : memref<!tpu.dma_semaphore, #tpu.memory_space<semaphore_mem>>
      %dma_start3A = arith.constant 0 : i32
      %dma_start3A_39 = arith.constant 0 : i32
      %dma_start3A_40 = tpu.memref_slice %arg11[%dma_start3A, %dma_start3A_39] : memref<128x128xf32, #tpu.memory_space<vmem>> -> memref<128x128xf32, #tpu.memory_space<vmem>>
      %dma_start3A_41 = arith.constant 0 : i32
      %dma_start3A_42 = tpu.memref_slice %arg13[%multiple_of3A_29, %dma_start3A_41] : memref<10112x128xf32, #tpu.memory_space<vmem_shared>> -> memref<128x128xf32, #tpu.memory_space<vmem_shared>>
      %dma_start3A_43 = arith.constant 0 : i32
      %dma_start3A_44 = arith.constant 0 : i32
      %dma_start3A_45 = tpu.memref_slice %arg11[%dma_start3A_43, %dma_start3A_44] : memref<128x128xf32, #tpu.memory_space<vmem>> -> memref<128x128xf32, #tpu.memory_space<vmem>>
      %dma_start3A_46 = arith.constant 0 : i32
      %dma_start3A_47 = tpu.memref_slice %arg13[%multiple_of3A_29, %dma_start3A_46] : memref<10112x128xf32, #tpu.memory_space<vmem_shared>> -> memref<128x128xf32, #tpu.memory_space<vmem_shared>>
      tpu.enqueue_dma source(%dma_start3A_47 : memref<128x128xf32, #tpu.memory_space<vmem_shared>>) target(%dma_start3A_45 : memref<128x128xf32, #tpu.memory_space<vmem>>) target_semaphore(%run_scoped3A : memref<!tpu.dma_semaphore, #tpu.memory_space<semaphore_mem>>)
      %dma_wait3A = arith.constant 0 : i32
      %dma_wait3A_48 = arith.constant 0 : i32
      %dma_wait3A_49 = tpu.memref_slice %arg11[%dma_wait3A, %dma_wait3A_48] : memref<128x128xf32, #tpu.memory_space<vmem>> -> memref<128x128xf32, #tpu.memory_space<vmem>>
      %dma_wait3A_50 = arith.constant 0 : i32
      %dma_wait3A_51 = tpu.memref_slice %arg13[%multiple_of3A_29, %dma_wait3A_50] : memref<10112x128xf32, #tpu.memory_space<vmem_shared>> -> memref<128x128xf32, #tpu.memory_space<vmem_shared>>
      %dma_wait3A_52 = arith.constant 0 : i32
      %dma_wait3A_53 = arith.constant 0 : i32
      %dma_wait3A_54 = tpu.memref_slice %arg11[%dma_wait3A_52, %dma_wait3A_53] : memref<128x128xf32, #tpu.memory_space<vmem>> -> memref<128x128xf32, #tpu.memory_space<vmem>>
      %dma_wait3A_55 = arith.constant 0 : i32
      %dma_wait3A_56 = tpu.memref_slice %arg13[%multiple_of3A_29, %dma_wait3A_55] : memref<10112x128xf32, #tpu.memory_space<vmem_shared>> -> memref<128x128xf32, #tpu.memory_space<vmem_shared>>
      tpu.wait_dma2 semaphore(%run_scoped3A : memref<!tpu.dma_semaphore, #tpu.memory_space<semaphore_mem>>) src(%dma_wait3A_56 : memref<128x128xf32, #tpu.memory_space<vmem_shared>>) dst(%dma_wait3A_54 : memref<128x128xf32, #tpu.memory_space<vmem>>)
      tpu.yield
    }) : () -> ()
    "tpu.region"() ({
      %run_scoped3A = tpu.sem_alloc : memref<!tpu.dma_semaphore, #tpu.memory_space<semaphore_mem>>
      %dma_start3A = arith.constant 0 : i32
      %dma_start3A_39 = arith.constant 0 : i32
      %dma_start3A_40 = tpu.memref_slice %arg11[%dma_start3A, %dma_start3A_39] : memref<128x128xf32, #tpu.memory_space<vmem>> -> memref<128x128xf32, #tpu.memory_space<vmem>>
      %dma_start3A_41 = arith.constant 0 : i32
      %dma_start3A_42 = arith.constant 0 : i32
      %dma_start3A_43 = tpu.memref_slice %arg7[%arg0, %dma_start3A_41, %dma_start3A_42] : memref<2x10112x128xf32, #tpu.memory_space<hbm>> -> memref<1x10112x128xf32, #tpu.memory_space<hbm>>
      %dma_start3A_44 = tpu.memref_squeeze %dma_start3A_43 : memref<1x10112x128xf32, #tpu.memory_space<hbm>> -> memref<10112x128xf32, #tpu.memory_space<hbm>>
      %dma_start3A_45 = arith.constant 0 : i32
      %dma_start3A_46 = tpu.memref_slice %dma_start3A_44[%multiple_of3A_29, %dma_start3A_45] : memref<10112x128xf32, #tpu.memory_space<hbm>> -> memref<128x128xf32, #tpu.memory_space<hbm>>
      %dma_start3A_47 = arith.constant 0 : i32
      %dma_start3A_48 = arith.constant 0 : i32
      %dma_start3A_49 = tpu.memref_slice %arg7[%arg0, %dma_start3A_47, %dma_start3A_48] : memref<2x10112x128xf32, #tpu.memory_space<hbm>> -> memref<1x10112x128xf32, #tpu.memory_space<hbm>>
      %dma_start3A_50 = tpu.memref_squeeze %dma_start3A_49 : memref<1x10112x128xf32, #tpu.memory_space<hbm>> -> memref<10112x128xf32, #tpu.memory_space<hbm>>
      %dma_start3A_51 = arith.constant 0 : i32
      %dma_start3A_52 = tpu.memref_slice %dma_start3A_50[%multiple_of3A_29, %dma_start3A_51] : memref<10112x128xf32, #tpu.memory_space<hbm>> -> memref<128x128xf32, #tpu.memory_space<hbm>>
      %dma_start3A_53 = arith.constant 0 : i32
      %dma_start3A_54 = arith.constant 0 : i32
      %dma_start3A_55 = tpu.memref_slice %arg11[%dma_start3A_53, %dma_start3A_54] : memref<128x128xf32, #tpu.memory_space<vmem>> -> memref<128x128xf32, #tpu.memory_space<vmem>>
      tpu.enqueue_dma source(%dma_start3A_55 : memref<128x128xf32, #tpu.memory_space<vmem>>) target(%dma_start3A_52 : memref<128x128xf32, #tpu.memory_space<hbm>>) target_semaphore(%run_scoped3A : memref<!tpu.dma_semaphore, #tpu.memory_space<semaphore_mem>>)
      %dma_wait3A = arith.constant 0 : i32
      %dma_wait3A_56 = arith.constant 0 : i32
      %dma_wait3A_57 = tpu.memref_slice %arg11[%dma_wait3A, %dma_wait3A_56] : memref<128x128xf32, #tpu.memory_space<vmem>> -> memref<128x128xf32, #tpu.memory_space<vmem>>
      %dma_wait3A_58 = arith.constant 0 : i32
      %dma_wait3A_59 = arith.constant 0 : i32
      %dma_wait3A_60 = tpu.memref_slice %arg7[%arg0, %dma_wait3A_58, %dma_wait3A_59] : memref<2x10112x128xf32, #tpu.memory_space<hbm>> -> memref<1x10112x128xf32, #tpu.memory_space<hbm>>
      %dma_wait3A_61 = tpu.memref_squeeze %dma_wait3A_60 : memref<1x10112x128xf32, #tpu.memory_space<hbm>> -> memref<10112x128xf32, #tpu.memory_space<hbm>>
      %dma_wait3A_62 = arith.constant 0 : i32
      %dma_wait3A_63 = tpu.memref_slice %dma_wait3A_61[%multiple_of3A_29, %dma_wait3A_62] : memref<10112x128xf32, #tpu.memory_space<hbm>> -> memref<128x128xf32, #tpu.memory_space<hbm>>
      %dma_wait3A_64 = arith.constant 0 : i32
      %dma_wait3A_65 = arith.constant 0 : i32
      %dma_wait3A_66 = tpu.memref_slice %arg7[%arg0, %dma_wait3A_64, %dma_wait3A_65] : memref<2x10112x128xf32, #tpu.memory_space<hbm>> -> memref<1x10112x128xf32, #tpu.memory_space<hbm>>
      %dma_wait3A_67 = tpu.memref_squeeze %dma_wait3A_66 : memref<1x10112x128xf32, #tpu.memory_space<hbm>> -> memref<10112x128xf32, #tpu.memory_space<hbm>>
      %dma_wait3A_68 = arith.constant 0 : i32
      %dma_wait3A_69 = tpu.memref_slice %dma_wait3A_67[%multiple_of3A_29, %dma_wait3A_68] : memref<10112x128xf32, #tpu.memory_space<hbm>> -> memref<128x128xf32, #tpu.memory_space<hbm>>
      %dma_wait3A_70 = arith.constant 0 : i32
      %dma_wait3A_71 = arith.constant 0 : i32
      %dma_wait3A_72 = tpu.memref_slice %arg11[%dma_wait3A_70, %dma_wait3A_71] : memref<128x128xf32, #tpu.memory_space<vmem>> -> memref<128x128xf32, #tpu.memory_space<vmem>>
      tpu.wait_dma2 semaphore(%run_scoped3A : memref<!tpu.dma_semaphore, #tpu.memory_space<semaphore_mem>>) src(%dma_wait3A_72 : memref<128x128xf32, #tpu.memory_space<vmem>>) dst(%dma_wait3A_69 : memref<128x128xf32, #tpu.memory_space<hbm>>)
      tpu.yield
    }) : () -> ()
    %add3A_30 = arith.constant 256 : i32
    %add3A_31 = arith.addi %mul3A_2, %add3A_30 : i32
    %multiple_of3A_32 = tpu.assume_multiple %add3A_31, 8 : i32
    "tpu.region"() ({
      %run_scoped3A = tpu.sem_alloc : memref<!tpu.dma_semaphore, #tpu.memory_space<semaphore_mem>>
      %dma_start3A = arith.constant 0 : i32
      %dma_start3A_39 = arith.constant 0 : i32
      %dma_start3A_40 = tpu.memref_slice %arg11[%dma_start3A, %dma_start3A_39] : memref<128x128xf32, #tpu.memory_space<vmem>> -> memref<128x128xf32, #tpu.memory_space<vmem>>
      %dma_start3A_41 = arith.constant 0 : i32
      %dma_start3A_42 = tpu.memref_slice %arg13[%multiple_of3A_32, %dma_start3A_41] : memref<10112x128xf32, #tpu.memory_space<vmem_shared>> -> memref<128x128xf32, #tpu.memory_space<vmem_shared>>
      %dma_start3A_43 = arith.constant 0 : i32
      %dma_start3A_44 = arith.constant 0 : i32
      %dma_start3A_45 = tpu.memref_slice %arg11[%dma_start3A_43, %dma_start3A_44] : memref<128x128xf32, #tpu.memory_space<vmem>> -> memref<128x128xf32, #tpu.memory_space<vmem>>
      %dma_start3A_46 = arith.constant 0 : i32
      %dma_start3A_47 = tpu.memref_slice %arg13[%multiple_of3A_32, %dma_start3A_46] : memref<10112x128xf32, #tpu.memory_space<vmem_shared>> -> memref<128x128xf32, #tpu.memory_space<vmem_shared>>
      tpu.enqueue_dma source(%dma_start3A_47 : memref<128x128xf32, #tpu.memory_space<vmem_shared>>) target(%dma_start3A_45 : memref<128x128xf32, #tpu.memory_space<vmem>>) target_semaphore(%run_scoped3A : memref<!tpu.dma_semaphore, #tpu.memory_space<semaphore_mem>>)
      %dma_wait3A = arith.constant 0 : i32
      %dma_wait3A_48 = arith.constant 0 : i32
      %dma_wait3A_49 = tpu.memref_slice %arg11[%dma_wait3A, %dma_wait3A_48] : memref<128x128xf32, #tpu.memory_space<vmem>> -> memref<128x128xf32, #tpu.memory_space<vmem>>
      %dma_wait3A_50 = arith.constant 0 : i32
      %dma_wait3A_51 = tpu.memref_slice %arg13[%multiple_of3A_32, %dma_wait3A_50] : memref<10112x128xf32, #tpu.memory_space<vmem_shared>> -> memref<128x128xf32, #tpu.memory_space<vmem_shared>>
      %dma_wait3A_52 = arith.constant 0 : i32
      %dma_wait3A_53 = arith.constant 0 : i32
      %dma_wait3A_54 = tpu.memref_slice %arg11[%dma_wait3A_52, %dma_wait3A_53] : memref<128x128xf32, #tpu.memory_space<vmem>> -> memref<128x128xf32, #tpu.memory_space<vmem>>
      %dma_wait3A_55 = arith.constant 0 : i32
      %dma_wait3A_56 = tpu.memref_slice %arg13[%multiple_of3A_32, %dma_wait3A_55] : memref<10112x128xf32, #tpu.memory_space<vmem_shared>> -> memref<128x128xf32, #tpu.memory_space<vmem_shared>>
      tpu.wait_dma2 semaphore(%run_scoped3A : memref<!tpu.dma_semaphore, #tpu.memory_space<semaphore_mem>>) src(%dma_wait3A_56 : memref<128x128xf32, #tpu.memory_space<vmem_shared>>) dst(%dma_wait3A_54 : memref<128x128xf32, #tpu.memory_space<vmem>>)
      tpu.yield
    }) : () -> ()
    "tpu.region"() ({
      %run_scoped3A = tpu.sem_alloc : memref<!tpu.dma_semaphore, #tpu.memory_space<semaphore_mem>>
      %dma_start3A = arith.constant 0 : i32
      %dma_start3A_39 = arith.constant 0 : i32
      %dma_start3A_40 = tpu.memref_slice %arg11[%dma_start3A, %dma_start3A_39] : memref<128x128xf32, #tpu.memory_space<vmem>> -> memref<128x128xf32, #tpu.memory_space<vmem>>
      %dma_start3A_41 = arith.constant 0 : i32
      %dma_start3A_42 = arith.constant 0 : i32
      %dma_start3A_43 = tpu.memref_slice %arg7[%arg0, %dma_start3A_41, %dma_start3A_42] : memref<2x10112x128xf32, #tpu.memory_space<hbm>> -> memref<1x10112x128xf32, #tpu.memory_space<hbm>>
      %dma_start3A_44 = tpu.memref_squeeze %dma_start3A_43 : memref<1x10112x128xf32, #tpu.memory_space<hbm>> -> memref<10112x128xf32, #tpu.memory_space<hbm>>
      %dma_start3A_45 = arith.constant 0 : i32
      %dma_start3A_46 = tpu.memref_slice %dma_start3A_44[%multiple_of3A_32, %dma_start3A_45] : memref<10112x128xf32, #tpu.memory_space<hbm>> -> memref<128x128xf32, #tpu.memory_space<hbm>>
      %dma_start3A_47 = arith.constant 0 : i32
      %dma_start3A_48 = arith.constant 0 : i32
      %dma_start3A_49 = tpu.memref_slice %arg7[%arg0, %dma_start3A_47, %dma_start3A_48] : memref<2x10112x128xf32, #tpu.memory_space<hbm>> -> memref<1x10112x128xf32, #tpu.memory_space<hbm>>
      %dma_start3A_50 = tpu.memref_squeeze %dma_start3A_49 : memref<1x10112x128xf32, #tpu.memory_space<hbm>> -> memref<10112x128xf32, #tpu.memory_space<hbm>>
      %dma_start3A_51 = arith.constant 0 : i32
      %dma_start3A_52 = tpu.memref_slice %dma_start3A_50[%multiple_of3A_32, %dma_start3A_51] : memref<10112x128xf32, #tpu.memory_space<hbm>> -> memref<128x128xf32, #tpu.memory_space<hbm>>
      %dma_start3A_53 = arith.constant 0 : i32
      %dma_start3A_54 = arith.constant 0 : i32
      %dma_start3A_55 = tpu.memref_slice %arg11[%dma_start3A_53, %dma_start3A_54] : memref<128x128xf32, #tpu.memory_space<vmem>> -> memref<128x128xf32, #tpu.memory_space<vmem>>
      tpu.enqueue_dma source(%dma_start3A_55 : memref<128x128xf32, #tpu.memory_space<vmem>>) target(%dma_start3A_52 : memref<128x128xf32, #tpu.memory_space<hbm>>) target_semaphore(%run_scoped3A : memref<!tpu.dma_semaphore, #tpu.memory_space<semaphore_mem>>)
      %dma_wait3A = arith.constant 0 : i32
      %dma_wait3A_56 = arith.constant 0 : i32
      %dma_wait3A_57 = tpu.memref_slice %arg11[%dma_wait3A, %dma_wait3A_56] : memref<128x128xf32, #tpu.memory_space<vmem>> -> memref<128x128xf32, #tpu.memory_space<vmem>>
      %dma_wait3A_58 = arith.constant 0 : i32
      %dma_wait3A_59 = arith.constant 0 : i32
      %dma_wait3A_60 = tpu.memref_slice %arg7[%arg0, %dma_wait3A_58, %dma_wait3A_59] : memref<2x10112x128xf32, #tpu.memory_space<hbm>> -> memref<1x10112x128xf32, #tpu.memory_space<hbm>>
      %dma_wait3A_61 = tpu.memref_squeeze %dma_wait3A_60 : memref<1x10112x128xf32, #tpu.memory_space<hbm>> -> memref<10112x128xf32, #tpu.memory_space<hbm>>
      %dma_wait3A_62 = arith.constant 0 : i32
      %dma_wait3A_63 = tpu.memref_slice %dma_wait3A_61[%multiple_of3A_32, %dma_wait3A_62] : memref<10112x128xf32, #tpu.memory_space<hbm>> -> memref<128x128xf32, #tpu.memory_space<hbm>>
      %dma_wait3A_64 = arith.constant 0 : i32
      %dma_wait3A_65 = arith.constant 0 : i32
      %dma_wait3A_66 = tpu.memref_slice %arg7[%arg0, %dma_wait3A_64, %dma_wait3A_65] : memref<2x10112x128xf32, #tpu.memory_space<hbm>> -> memref<1x10112x128xf32, #tpu.memory_space<hbm>>
      %dma_wait3A_67 = tpu.memref_squeeze %dma_wait3A_66 : memref<1x10112x128xf32, #tpu.memory_space<hbm>> -> memref<10112x128xf32, #tpu.memory_space<hbm>>
      %dma_wait3A_68 = arith.constant 0 : i32
      %dma_wait3A_69 = tpu.memref_slice %dma_wait3A_67[%multiple_of3A_32, %dma_wait3A_68] : memref<10112x128xf32, #tpu.memory_space<hbm>> -> memref<128x128xf32, #tpu.memory_space<hbm>>
      %dma_wait3A_70 = arith.constant 0 : i32
      %dma_wait3A_71 = arith.constant 0 : i32
      %dma_wait3A_72 = tpu.memref_slice %arg11[%dma_wait3A_70, %dma_wait3A_71] : memref<128x128xf32, #tpu.memory_space<vmem>> -> memref<128x128xf32, #tpu.memory_space<vmem>>
      tpu.wait_dma2 semaphore(%run_scoped3A : memref<!tpu.dma_semaphore, #tpu.memory_space<semaphore_mem>>) src(%dma_wait3A_72 : memref<128x128xf32, #tpu.memory_space<vmem>>) dst(%dma_wait3A_69 : memref<128x128xf32, #tpu.memory_space<hbm>>)
      tpu.yield
    }) : () -> ()
    %add3A_33 = arith.constant 384 : i32
    %add3A_34 = arith.addi %mul3A_2, %add3A_33 : i32
    %multiple_of3A_35 = tpu.assume_multiple %add3A_34, 8 : i32
    "tpu.region"() ({
      %run_scoped3A = tpu.sem_alloc : memref<!tpu.dma_semaphore, #tpu.memory_space<semaphore_mem>>
      %dma_start3A = arith.constant 0 : i32
      %dma_start3A_39 = arith.constant 0 : i32
      %dma_start3A_40 = tpu.memref_slice %arg11[%dma_start3A, %dma_start3A_39] : memref<128x128xf32, #tpu.memory_space<vmem>> -> memref<128x128xf32, #tpu.memory_space<vmem>>
      %dma_start3A_41 = arith.constant 0 : i32
      %dma_start3A_42 = tpu.memref_slice %arg13[%multiple_of3A_35, %dma_start3A_41] : memref<10112x128xf32, #tpu.memory_space<vmem_shared>> -> memref<128x128xf32, #tpu.memory_space<vmem_shared>>
      %dma_start3A_43 = arith.constant 0 : i32
      %dma_start3A_44 = arith.constant 0 : i32
      %dma_start3A_45 = tpu.memref_slice %arg11[%dma_start3A_43, %dma_start3A_44] : memref<128x128xf32, #tpu.memory_space<vmem>> -> memref<128x128xf32, #tpu.memory_space<vmem>>
      %dma_start3A_46 = arith.constant 0 : i32
      %dma_start3A_47 = tpu.memref_slice %arg13[%multiple_of3A_35, %dma_start3A_46] : memref<10112x128xf32, #tpu.memory_space<vmem_shared>> -> memref<128x128xf32, #tpu.memory_space<vmem_shared>>
      tpu.enqueue_dma source(%dma_start3A_47 : memref<128x128xf32, #tpu.memory_space<vmem_shared>>) target(%dma_start3A_45 : memref<128x128xf32, #tpu.memory_space<vmem>>) target_semaphore(%run_scoped3A : memref<!tpu.dma_semaphore, #tpu.memory_space<semaphore_mem>>)
      %dma_wait3A = arith.constant 0 : i32
      %dma_wait3A_48 = arith.constant 0 : i32
      %dma_wait3A_49 = tpu.memref_slice %arg11[%dma_wait3A, %dma_wait3A_48] : memref<128x128xf32, #tpu.memory_space<vmem>> -> memref<128x128xf32, #tpu.memory_space<vmem>>
      %dma_wait3A_50 = arith.constant 0 : i32
      %dma_wait3A_51 = tpu.memref_slice %arg13[%multiple_of3A_35, %dma_wait3A_50] : memref<10112x128xf32, #tpu.memory_space<vmem_shared>> -> memref<128x128xf32, #tpu.memory_space<vmem_shared>>
      %dma_wait3A_52 = arith.constant 0 : i32
      %dma_wait3A_53 = arith.constant 0 : i32
      %dma_wait3A_54 = tpu.memref_slice %arg11[%dma_wait3A_52, %dma_wait3A_53] : memref<128x128xf32, #tpu.memory_space<vmem>> -> memref<128x128xf32, #tpu.memory_space<vmem>>
      %dma_wait3A_55 = arith.constant 0 : i32
      %dma_wait3A_56 = tpu.memref_slice %arg13[%multiple_of3A_35, %dma_wait3A_55] : memref<10112x128xf32, #tpu.memory_space<vmem_shared>> -> memref<128x128xf32, #tpu.memory_space<vmem_shared>>
      tpu.wait_dma2 semaphore(%run_scoped3A : memref<!tpu.dma_semaphore, #tpu.memory_space<semaphore_mem>>) src(%dma_wait3A_56 : memref<128x128xf32, #tpu.memory_space<vmem_shared>>) dst(%dma_wait3A_54 : memref<128x128xf32, #tpu.memory_space<vmem>>)
      tpu.yield
    }) : () -> ()
    "tpu.region"() ({
      %run_scoped3A = tpu.sem_alloc : memref<!tpu.dma_semaphore, #tpu.memory_space<semaphore_mem>>
      %dma_start3A = arith.constant 0 : i32
      %dma_start3A_39 = arith.constant 0 : i32
      %dma_start3A_40 = tpu.memref_slice %arg11[%dma_start3A, %dma_start3A_39] : memref<128x128xf32, #tpu.memory_space<vmem>> -> memref<128x128xf32, #tpu.memory_space<vmem>>
      %dma_start3A_41 = arith.constant 0 : i32
      %dma_start3A_42 = arith.constant 0 : i32
      %dma_start3A_43 = tpu.memref_slice %arg7[%arg0, %dma_start3A_41, %dma_start3A_42] : memref<2x10112x128xf32, #tpu.memory_space<hbm>> -> memref<1x10112x128xf32, #tpu.memory_space<hbm>>
      %dma_start3A_44 = tpu.memref_squeeze %dma_start3A_43 : memref<1x10112x128xf32, #tpu.memory_space<hbm>> -> memref<10112x128xf32, #tpu.memory_space<hbm>>
      %dma_start3A_45 = arith.constant 0 : i32
      %dma_start3A_46 = tpu.memref_slice %dma_start3A_44[%multiple_of3A_35, %dma_start3A_45] : memref<10112x128xf32, #tpu.memory_space<hbm>> -> memref<128x128xf32, #tpu.memory_space<hbm>>
      %dma_start3A_47 = arith.constant 0 : i32
      %dma_start3A_48 = arith.constant 0 : i32
      %dma_start3A_49 = tpu.memref_slice %arg7[%arg0, %dma_start3A_47, %dma_start3A_48] : memref<2x10112x128xf32, #tpu.memory_space<hbm>> -> memref<1x10112x128xf32, #tpu.memory_space<hbm>>
      %dma_start3A_50 = tpu.memref_squeeze %dma_start3A_49 : memref<1x10112x128xf32, #tpu.memory_space<hbm>> -> memref<10112x128xf32, #tpu.memory_space<hbm>>
      %dma_start3A_51 = arith.constant 0 : i32
      %dma_start3A_52 = tpu.memref_slice %dma_start3A_50[%multiple_of3A_35, %dma_start3A_51] : memref<10112x128xf32, #tpu.memory_space<hbm>> -> memref<128x128xf32, #tpu.memory_space<hbm>>
      %dma_start3A_53 = arith.constant 0 : i32
      %dma_start3A_54 = arith.constant 0 : i32
      %dma_start3A_55 = tpu.memref_slice %arg11[%dma_start3A_53, %dma_start3A_54] : memref<128x128xf32, #tpu.memory_space<vmem>> -> memref<128x128xf32, #tpu.memory_space<vmem>>
      tpu.enqueue_dma source(%dma_start3A_55 : memref<128x128xf32, #tpu.memory_space<vmem>>) target(%dma_start3A_52 : memref<128x128xf32, #tpu.memory_space<hbm>>) target_semaphore(%run_scoped3A : memref<!tpu.dma_semaphore, #tpu.memory_space<semaphore_mem>>)
      %dma_wait3A = arith.constant 0 : i32
      %dma_wait3A_56 = arith.constant 0 : i32
      %dma_wait3A_57 = tpu.memref_slice %arg11[%dma_wait3A, %dma_wait3A_56] : memref<128x128xf32, #tpu.memory_space<vmem>> -> memref<128x128xf32, #tpu.memory_space<vmem>>
      %dma_wait3A_58 = arith.constant 0 : i32
      %dma_wait3A_59 = arith.constant 0 : i32
      %dma_wait3A_60 = tpu.memref_slice %arg7[%arg0, %dma_wait3A_58, %dma_wait3A_59] : memref<2x10112x128xf32, #tpu.memory_space<hbm>> -> memref<1x10112x128xf32, #tpu.memory_space<hbm>>
      %dma_wait3A_61 = tpu.memref_squeeze %dma_wait3A_60 : memref<1x10112x128xf32, #tpu.memory_space<hbm>> -> memref<10112x128xf32, #tpu.memory_space<hbm>>
      %dma_wait3A_62 = arith.constant 0 : i32
      %dma_wait3A_63 = tpu.memref_slice %dma_wait3A_61[%multiple_of3A_35, %dma_wait3A_62] : memref<10112x128xf32, #tpu.memory_space<hbm>> -> memref<128x128xf32, #tpu.memory_space<hbm>>
      %dma_wait3A_64 = arith.constant 0 : i32
      %dma_wait3A_65 = arith.constant 0 : i32
      %dma_wait3A_66 = tpu.memref_slice %arg7[%arg0, %dma_wait3A_64, %dma_wait3A_65] : memref<2x10112x128xf32, #tpu.memory_space<hbm>> -> memref<1x10112x128xf32, #tpu.memory_space<hbm>>
      %dma_wait3A_67 = tpu.memref_squeeze %dma_wait3A_66 : memref<1x10112x128xf32, #tpu.memory_space<hbm>> -> memref<10112x128xf32, #tpu.memory_space<hbm>>
      %dma_wait3A_68 = arith.constant 0 : i32
      %dma_wait3A_69 = tpu.memref_slice %dma_wait3A_67[%multiple_of3A_35, %dma_wait3A_68] : memref<10112x128xf32, #tpu.memory_space<hbm>> -> memref<128x128xf32, #tpu.memory_space<hbm>>
      %dma_wait3A_70 = arith.constant 0 : i32
      %dma_wait3A_71 = arith.constant 0 : i32
      %dma_wait3A_72 = tpu.memref_slice %arg11[%dma_wait3A_70, %dma_wait3A_71] : memref<128x128xf32, #tpu.memory_space<vmem>> -> memref<128x128xf32, #tpu.memory_space<vmem>>
      tpu.wait_dma2 semaphore(%run_scoped3A : memref<!tpu.dma_semaphore, #tpu.memory_space<semaphore_mem>>) src(%dma_wait3A_72 : memref<128x128xf32, #tpu.memory_space<vmem>>) dst(%dma_wait3A_69 : memref<128x128xf32, #tpu.memory_space<hbm>>)
      tpu.yield
    }) : () -> ()
    %add3A_36 = arith.constant 512 : i32
    %add3A_37 = arith.addi %mul3A_2, %add3A_36 : i32
    %multiple_of3A_38 = tpu.assume_multiple %add3A_37, 8 : i32
    "tpu.region"() ({
      %run_scoped3A = tpu.sem_alloc : memref<!tpu.dma_semaphore, #tpu.memory_space<semaphore_mem>>
      %dma_start3A = arith.constant 0 : i32
      %dma_start3A_39 = arith.constant 0 : i32
      %dma_start3A_40 = tpu.memref_slice %arg11[%dma_start3A, %dma_start3A_39] : memref<128x128xf32, #tpu.memory_space<vmem>> -> memref<120x128xf32, #tpu.memory_space<vmem>>
      %dma_start3A_41 = arith.constant 0 : i32
      %dma_start3A_42 = tpu.memref_slice %arg13[%multiple_of3A_38, %dma_start3A_41] : memref<10112x128xf32, #tpu.memory_space<vmem_shared>> -> memref<120x128xf32, #tpu.memory_space<vmem_shared>>
      %dma_start3A_43 = arith.constant 0 : i32
      %dma_start3A_44 = arith.constant 0 : i32
      %dma_start3A_45 = tpu.memref_slice %arg11[%dma_start3A_43, %dma_start3A_44] : memref<128x128xf32, #tpu.memory_space<vmem>> -> memref<120x128xf32, #tpu.memory_space<vmem>>
      %dma_start3A_46 = arith.constant 0 : i32
      %dma_start3A_47 = tpu.memref_slice %arg13[%multiple_of3A_38, %dma_start3A_46] : memref<10112x128xf32, #tpu.memory_space<vmem_shared>> -> memref<120x128xf32, #tpu.memory_space<vmem_shared>>
      tpu.enqueue_dma source(%dma_start3A_47 : memref<120x128xf32, #tpu.memory_space<vmem_shared>>) target(%dma_start3A_45 : memref<120x128xf32, #tpu.memory_space<vmem>>) target_semaphore(%run_scoped3A : memref<!tpu.dma_semaphore, #tpu.memory_space<semaphore_mem>>)
      %dma_wait3A = arith.constant 0 : i32
      %dma_wait3A_48 = arith.constant 0 : i32
      %dma_wait3A_49 = tpu.memref_slice %arg11[%dma_wait3A, %dma_wait3A_48] : memref<128x128xf32, #tpu.memory_space<vmem>> -> memref<120x128xf32, #tpu.memory_space<vmem>>
      %dma_wait3A_50 = arith.constant 0 : i32
      %dma_wait3A_51 = tpu.memref_slice %arg13[%multiple_of3A_38, %dma_wait3A_50] : memref<10112x128xf32, #tpu.memory_space<vmem_shared>> -> memref<120x128xf32, #tpu.memory_space<vmem_shared>>
      %dma_wait3A_52 = arith.constant 0 : i32
      %dma_wait3A_53 = arith.constant 0 : i32
      %dma_wait3A_54 = tpu.memref_slice %arg11[%dma_wait3A_52, %dma_wait3A_53] : memref<128x128xf32, #tpu.memory_space<vmem>> -> memref<120x128xf32, #tpu.memory_space<vmem>>
      %dma_wait3A_55 = arith.constant 0 : i32
      %dma_wait3A_56 = tpu.memref_slice %arg13[%multiple_of3A_38, %dma_wait3A_55] : memref<10112x128xf32, #tpu.memory_space<vmem_shared>> -> memref<120x128xf32, #tpu.memory_space<vmem_shared>>
      tpu.wait_dma2 semaphore(%run_scoped3A : memref<!tpu.dma_semaphore, #tpu.memory_space<semaphore_mem>>) src(%dma_wait3A_56 : memref<120x128xf32, #tpu.memory_space<vmem_shared>>) dst(%dma_wait3A_54 : memref<120x128xf32, #tpu.memory_space<vmem>>)
      tpu.yield
    }) : () -> ()
    "tpu.region"() ({
      %run_scoped3A = tpu.sem_alloc : memref<!tpu.dma_semaphore, #tpu.memory_space<semaphore_mem>>
      %dma_start3A = arith.constant 0 : i32
      %dma_start3A_39 = arith.constant 0 : i32
      %dma_start3A_40 = tpu.memref_slice %arg11[%dma_start3A, %dma_start3A_39] : memref<128x128xf32, #tpu.memory_space<vmem>> -> memref<120x128xf32, #tpu.memory_space<vmem>>
      %dma_start3A_41 = arith.constant 0 : i32
      %dma_start3A_42 = arith.constant 0 : i32
      %dma_start3A_43 = tpu.memref_slice %arg7[%arg0, %dma_start3A_41, %dma_start3A_42] : memref<2x10112x128xf32, #tpu.memory_space<hbm>> -> memref<1x10112x128xf32, #tpu.memory_space<hbm>>
      %dma_start3A_44 = tpu.memref_squeeze %dma_start3A_43 : memref<1x10112x128xf32, #tpu.memory_space<hbm>> -> memref<10112x128xf32, #tpu.memory_space<hbm>>
      %dma_start3A_45 = arith.constant 0 : i32
      %dma_start3A_46 = tpu.memref_slice %dma_start3A_44[%multiple_of3A_38, %dma_start3A_45] : memref<10112x128xf32, #tpu.memory_space<hbm>> -> memref<120x128xf32, #tpu.memory_space<hbm>>
      %dma_start3A_47 = arith.constant 0 : i32
      %dma_start3A_48 = arith.constant 0 : i32
      %dma_start3A_49 = tpu.memref_slice %arg7[%arg0, %dma_start3A_47, %dma_start3A_48] : memref<2x10112x128xf32, #tpu.memory_space<hbm>> -> memref<1x10112x128xf32, #tpu.memory_space<hbm>>
      %dma_start3A_50 = tpu.memref_squeeze %dma_start3A_49 : memref<1x10112x128xf32, #tpu.memory_space<hbm>> -> memref<10112x128xf32, #tpu.memory_space<hbm>>
      %dma_start3A_51 = arith.constant 0 : i32
      %dma_start3A_52 = tpu.memref_slice %dma_start3A_50[%multiple_of3A_38, %dma_start3A_51] : memref<10112x128xf32, #tpu.memory_space<hbm>> -> memref<120x128xf32, #tpu.memory_space<hbm>>
      %dma_start3A_53 = arith.constant 0 : i32
      %dma_start3A_54 = arith.constant 0 : i32
      %dma_start3A_55 = tpu.memref_slice %arg11[%dma_start3A_53, %dma_start3A_54] : memref<128x128xf32, #tpu.memory_space<vmem>> -> memref<120x128xf32, #tpu.memory_space<vmem>>
      tpu.enqueue_dma source(%dma_start3A_55 : memref<120x128xf32, #tpu.memory_space<vmem>>) target(%dma_start3A_52 : memref<120x128xf32, #tpu.memory_space<hbm>>) target_semaphore(%run_scoped3A : memref<!tpu.dma_semaphore, #tpu.memory_space<semaphore_mem>>)
      %dma_wait3A = arith.constant 0 : i32
      %dma_wait3A_56 = arith.constant 0 : i32
      %dma_wait3A_57 = tpu.memref_slice %arg11[%dma_wait3A, %dma_wait3A_56] : memref<128x128xf32, #tpu.memory_space<vmem>> -> memref<120x128xf32, #tpu.memory_space<vmem>>
      %dma_wait3A_58 = arith.constant 0 : i32
      %dma_wait3A_59 = arith.constant 0 : i32
      %dma_wait3A_60 = tpu.memref_slice %arg7[%arg0, %dma_wait3A_58, %dma_wait3A_59] : memref<2x10112x128xf32, #tpu.memory_space<hbm>> -> memref<1x10112x128xf32, #tpu.memory_space<hbm>>
      %dma_wait3A_61 = tpu.memref_squeeze %dma_wait3A_60 : memref<1x10112x128xf32, #tpu.memory_space<hbm>> -> memref<10112x128xf32, #tpu.memory_space<hbm>>
      %dma_wait3A_62 = arith.constant 0 : i32
      %dma_wait3A_63 = tpu.memref_slice %dma_wait3A_61[%multiple_of3A_38, %dma_wait3A_62] : memref<10112x128xf32, #tpu.memory_space<hbm>> -> memref<120x128xf32, #tpu.memory_space<hbm>>
      %dma_wait3A_64 = arith.constant 0 : i32
      %dma_wait3A_65 = arith.constant 0 : i32
      %dma_wait3A_66 = tpu.memref_slice %arg7[%arg0, %dma_wait3A_64, %dma_wait3A_65] : memref<2x10112x128xf32, #tpu.memory_space<hbm>> -> memref<1x10112x128xf32, #tpu.memory_space<hbm>>
      %dma_wait3A_67 = tpu.memref_squeeze %dma_wait3A_66 : memref<1x10112x128xf32, #tpu.memory_space<hbm>> -> memref<10112x128xf32, #tpu.memory_space<hbm>>
      %dma_wait3A_68 = arith.constant 0 : i32
      %dma_wait3A_69 = tpu.memref_slice %dma_wait3A_67[%multiple_of3A_38, %dma_wait3A_68] : memref<10112x128xf32, #tpu.memory_space<hbm>> -> memref<120x128xf32, #tpu.memory_space<hbm>>
      %dma_wait3A_70 = arith.constant 0 : i32
      %dma_wait3A_71 = arith.constant 0 : i32
      %dma_wait3A_72 = tpu.memref_slice %arg11[%dma_wait3A_70, %dma_wait3A_71] : memref<128x128xf32, #tpu.memory_space<vmem>> -> memref<120x128xf32, #tpu.memory_space<vmem>>
      tpu.wait_dma2 semaphore(%run_scoped3A : memref<!tpu.dma_semaphore, #tpu.memory_space<semaphore_mem>>) src(%dma_wait3A_72 : memref<120x128xf32, #tpu.memory_space<vmem>>) dst(%dma_wait3A_69 : memref<120x128xf32, #tpu.memory_space<hbm>>)
      tpu.yield
    }) : () -> ()
    "tpu.region"() ({
      %run_scoped3A = tpu.sem_alloc : memref<!tpu.dma_semaphore, #tpu.memory_space<semaphore_mem>>
      %dma_start3A = arith.constant 0 : i32
      %dma_start3A_39 = tpu.memref_slice %arg8[%add3A, %dma_start3A] : memref<32x10112xf32, #tpu.memory_space<hbm>> -> memref<1x10112xf32, #tpu.memory_space<hbm>>
      %dma_start3A_40 = tpu.memref_squeeze %dma_start3A_39 : memref<1x10112xf32, #tpu.memory_space<hbm>> -> memref<10112xf32, #tpu.memory_space<hbm>>
      %dma_start3A_41 = arith.constant 0 : i32
      %dma_start3A_42 = tpu.memref_slice %arg8[%add3A, %dma_start3A_41] : memref<32x10112xf32, #tpu.memory_space<hbm>> -> memref<1x10112xf32, #tpu.memory_space<hbm>>
      %dma_start3A_43 = tpu.memref_squeeze %dma_start3A_42 : memref<1x10112xf32, #tpu.memory_space<hbm>> -> memref<10112xf32, #tpu.memory_space<hbm>>
      tpu.enqueue_dma source(%arg12 : memref<10112xf32, #tpu.memory_space<vmem>>) target(%dma_start3A_43 : memref<10112xf32, #tpu.memory_space<hbm>>) target_semaphore(%run_scoped3A : memref<!tpu.dma_semaphore, #tpu.memory_space<semaphore_mem>>)
      %dma_wait3A = arith.constant 0 : i32
      %dma_wait3A_44 = tpu.memref_slice %arg8[%add3A, %dma_wait3A] : memref<32x10112xf32, #tpu.memory_space<hbm>> -> memref<1x10112xf32, #tpu.memory_space<hbm>>
      %dma_wait3A_45 = tpu.memref_squeeze %dma_wait3A_44 : memref<1x10112xf32, #tpu.memory_space<hbm>> -> memref<10112xf32, #tpu.memory_space<hbm>>
      %dma_wait3A_46 = arith.constant 0 : i32
      %dma_wait3A_47 = tpu.memref_slice %arg8[%add3A, %dma_wait3A_46] : memref<32x10112xf32, #tpu.memory_space<hbm>> -> memref<1x10112xf32, #tpu.memory_space<hbm>>
      %dma_wait3A_48 = tpu.memref_squeeze %dma_wait3A_47 : memref<1x10112xf32, #tpu.memory_space<hbm>> -> memref<10112xf32, #tpu.memory_space<hbm>>
      tpu.wait_dma2 semaphore(%run_scoped3A : memref<!tpu.dma_semaphore, #tpu.memory_space<semaphore_mem>>) src(%arg12 : memref<10112xf32, #tpu.memory_space<vmem>>) dst(%dma_wait3A_48 : memref<10112xf32, #tpu.memory_space<hbm>>)
      tpu.yield
    }) : () -> ()
    return
  }
}

#map = affine_map<(d0, d1) -> (0, 0)>
#map1 = affine_map<(d0, d1) -> (0)>
#map2 = affine_map<(d0, d1) -> (0, 0, 0)>
module attributes {stable_mosaic.version = 14 : i64} {
  func.func @_sc_agg(%arg0: i32, %arg1: i32, %arg2: memref<10000x128xf32, #tpu.memory_space<hbm>>, %arg3: memref<323584xi32, #tpu.memory_space<hbm>>, %arg4: memref<323584xi32, #tpu.memory_space<hbm>>, %arg5: memref<128x128xf32, #tpu.memory_space<hbm>>, %arg6: memref<10112xf32, #tpu.memory_space<hbm>>, %arg7: memref<2x10112x128xf32, #tpu.memory_space<hbm>>, %arg8: memref<32x10112xf32, #tpu.memory_space<hbm>>, %arg9: memref<128xi32, #tpu.memory_space<vmem>>, %arg10: memref<128xi32, #tpu.memory_space<vmem>>, %arg11: memref<128x128xf32, #tpu.memory_space<vmem>>, %arg12: memref<10112xf32, #tpu.memory_space<vmem>>, %arg13: memref<10112x128xf32, #tpu.memory_space<vmem_shared>>, %arg14: memref<!tpu.dma_semaphore, #tpu.memory_space<semaphore_mem>>) attributes {dimension_semantics = [#tpu.dimension_semantics<core_parallel>, #tpu.dimension_semantics<subcore_parallel>], iteration_bounds = array<i64: 2, 16>, scalar_prefetch = 0 : i64, scratch_operands = 6 : i64, tpu.core_type = #tpu.core_type<sc_vector_subcore>, window_params = [{transform_indices = #map}, {transform_indices = #map1}, {transform_indices = #map1}, {transform_indices = #map}, {transform_indices = #map1}, {transform_indices = #map2}, {transform_indices = #map}]} {
    %mul3A = arith.constant 2 : i32
    %mul3A_0 = arith.muli %arg1, %mul3A : i32
    %add3A = arith.addi %mul3A_0, %arg0 : i32
    %mul3A_1 = arith.constant 632 : i32
    %mul3A_2 = arith.muli %arg1, %mul3A_1 : i32
    "tpu.region"() ({
      %run_scoped3A = tpu.sem_alloc : memref<!tpu.dma_semaphore, #tpu.memory_space<semaphore_mem>>
      tpu.enqueue_dma source(%arg5 : memref<128x128xf32, #tpu.memory_space<hbm>>) target(%arg11 : memref<128x128xf32, #tpu.memory_space<vmem>>) target_semaphore(%run_scoped3A : memref<!tpu.dma_semaphore, #tpu.memory_space<semaphore_mem>>)
      tpu.wait_dma2 semaphore(%run_scoped3A : memref<!tpu.dma_semaphore, #tpu.memory_space<semaphore_mem>>) src(%arg5 : memref<128x128xf32, #tpu.memory_space<hbm>>) dst(%arg11 : memref<128x128xf32, #tpu.memory_space<vmem>>)
      tpu.yield
    }) : () -> ()
    %add3A_3 = arith.constant 0 : i32
    %add3A_4 = arith.addi %mul3A_2, %add3A_3 : i32
    %multiple_of3A = tpu.assume_multiple %add3A_4, 8 : i32
    "tpu.region"() ({
      %run_scoped3A = tpu.sem_alloc : memref<!tpu.dma_semaphore, #tpu.memory_space<semaphore_mem>>
      %dma_start3A = arith.constant 0 : i32
      %dma_start3A_39 = arith.constant 0 : i32
      %dma_start3A_40 = tpu.memref_slice %arg11[%dma_start3A, %dma_start3A_39] : memref<128x128xf32, #tpu.memory_space<vmem>> -> memref<128x128xf32, #tpu.memory_space<vmem>>
      %dma_start3A_41 = arith.constant 0 : i32
      %dma_start3A_42 = tpu.memref_slice %arg13[%multiple_of3A, %dma_start3A_41] : memref<10112x128xf32, #tpu.memory_space<vmem_shared>> -> memref<128x128xf32, #tpu.memory_space<vmem_shared>>
      %dma_start3A_43 = arith.constant 0 : i32
      %dma_start3A_44 = tpu.memref_slice %arg13[%multiple_of3A, %dma_start3A_43] : memref<10112x128xf32, #tpu.memory_space<vmem_shared>> -> memref<128x128xf32, #tpu.memory_space<vmem_shared>>
      %dma_start3A_45 = arith.constant 0 : i32
      %dma_start3A_46 = arith.constant 0 : i32
      %dma_start3A_47 = tpu.memref_slice %arg11[%dma_start3A_45, %dma_start3A_46] : memref<128x128xf32, #tpu.memory_space<vmem>> -> memref<128x128xf32, #tpu.memory_space<vmem>>
      tpu.enqueue_dma source(%dma_start3A_47 : memref<128x128xf32, #tpu.memory_space<vmem>>) target(%dma_start3A_44 : memref<128x128xf32, #tpu.memory_space<vmem_shared>>) target_semaphore(%run_scoped3A : memref<!tpu.dma_semaphore, #tpu.memory_space<semaphore_mem>>)
      %dma_wait3A = arith.constant 0 : i32
      %dma_wait3A_48 = arith.constant 0 : i32
      %dma_wait3A_49 = tpu.memref_slice %arg11[%dma_wait3A, %dma_wait3A_48] : memref<128x128xf32, #tpu.memory_space<vmem>> -> memref<128x128xf32, #tpu.memory_space<vmem>>
      %dma_wait3A_50 = arith.constant 0 : i32
      %dma_wait3A_51 = tpu.memref_slice %arg13[%multiple_of3A, %dma_wait3A_50] : memref<10112x128xf32, #tpu.memory_space<vmem_shared>> -> memref<128x128xf32, #tpu.memory_space<vmem_shared>>
      %dma_wait3A_52 = arith.constant 0 : i32
      %dma_wait3A_53 = tpu.memref_slice %arg13[%multiple_of3A, %dma_wait3A_52] : memref<10112x128xf32, #tpu.memory_space<vmem_shared>> -> memref<128x128xf32, #tpu.memory_space<vmem_shared>>
      %dma_wait3A_54 = arith.constant 0 : i32
      %dma_wait3A_55 = arith.constant 0 : i32
      %dma_wait3A_56 = tpu.memref_slice %arg11[%dma_wait3A_54, %dma_wait3A_55] : memref<128x128xf32, #tpu.memory_space<vmem>> -> memref<128x128xf32, #tpu.memory_space<vmem>>
      tpu.wait_dma2 semaphore(%run_scoped3A : memref<!tpu.dma_semaphore, #tpu.memory_space<semaphore_mem>>) src(%dma_wait3A_56 : memref<128x128xf32, #tpu.memory_space<vmem>>) dst(%dma_wait3A_53 : memref<128x128xf32, #tpu.memory_space<vmem_shared>>)
      tpu.yield
    }) : () -> ()
    %add3A_5 = arith.constant 128 : i32
    %add3A_6 = arith.addi %mul3A_2, %add3A_5 : i32
    %multiple_of3A_7 = tpu.assume_multiple %add3A_6, 8 : i32
    "tpu.region"() ({
      %run_scoped3A = tpu.sem_alloc : memref<!tpu.dma_semaphore, #tpu.memory_space<semaphore_mem>>
      %dma_start3A = arith.constant 0 : i32
      %dma_start3A_39 = arith.constant 0 : i32
      %dma_start3A_40 = tpu.memref_slice %arg11[%dma_start3A, %dma_start3A_39] : memref<128x128xf32, #tpu.memory_space<vmem>> -> memref<128x128xf32, #tpu.memory_space<vmem>>
      %dma_start3A_41 = arith.constant 0 : i32
      %dma_start3A_42 = tpu.memref_slice %arg13[%multiple_of3A_7, %dma_start3A_41] : memref<10112x128xf32, #tpu.memory_space<vmem_shared>> -> memref<128x128xf32, #tpu.memory_space<vmem_shared>>
      %dma_start3A_43 = arith.constant 0 : i32
      %dma_start3A_44 = tpu.memref_slice %arg13[%multiple_of3A_7, %dma_start3A_43] : memref<10112x128xf32, #tpu.memory_space<vmem_shared>> -> memref<128x128xf32, #tpu.memory_space<vmem_shared>>
      %dma_start3A_45 = arith.constant 0 : i32
      %dma_start3A_46 = arith.constant 0 : i32
      %dma_start3A_47 = tpu.memref_slice %arg11[%dma_start3A_45, %dma_start3A_46] : memref<128x128xf32, #tpu.memory_space<vmem>> -> memref<128x128xf32, #tpu.memory_space<vmem>>
      tpu.enqueue_dma source(%dma_start3A_47 : memref<128x128xf32, #tpu.memory_space<vmem>>) target(%dma_start3A_44 : memref<128x128xf32, #tpu.memory_space<vmem_shared>>) target_semaphore(%run_scoped3A : memref<!tpu.dma_semaphore, #tpu.memory_space<semaphore_mem>>)
      %dma_wait3A = arith.constant 0 : i32
      %dma_wait3A_48 = arith.constant 0 : i32
      %dma_wait3A_49 = tpu.memref_slice %arg11[%dma_wait3A, %dma_wait3A_48] : memref<128x128xf32, #tpu.memory_space<vmem>> -> memref<128x128xf32, #tpu.memory_space<vmem>>
      %dma_wait3A_50 = arith.constant 0 : i32
      %dma_wait3A_51 = tpu.memref_slice %arg13[%multiple_of3A_7, %dma_wait3A_50] : memref<10112x128xf32, #tpu.memory_space<vmem_shared>> -> memref<128x128xf32, #tpu.memory_space<vmem_shared>>
      %dma_wait3A_52 = arith.constant 0 : i32
      %dma_wait3A_53 = tpu.memref_slice %arg13[%multiple_of3A_7, %dma_wait3A_52] : memref<10112x128xf32, #tpu.memory_space<vmem_shared>> -> memref<128x128xf32, #tpu.memory_space<vmem_shared>>
      %dma_wait3A_54 = arith.constant 0 : i32
      %dma_wait3A_55 = arith.constant 0 : i32
      %dma_wait3A_56 = tpu.memref_slice %arg11[%dma_wait3A_54, %dma_wait3A_55] : memref<128x128xf32, #tpu.memory_space<vmem>> -> memref<128x128xf32, #tpu.memory_space<vmem>>
      tpu.wait_dma2 semaphore(%run_scoped3A : memref<!tpu.dma_semaphore, #tpu.memory_space<semaphore_mem>>) src(%dma_wait3A_56 : memref<128x128xf32, #tpu.memory_space<vmem>>) dst(%dma_wait3A_53 : memref<128x128xf32, #tpu.memory_space<vmem_shared>>)
      tpu.yield
    }) : () -> ()
    %add3A_8 = arith.constant 256 : i32
    %add3A_9 = arith.addi %mul3A_2, %add3A_8 : i32
    %multiple_of3A_10 = tpu.assume_multiple %add3A_9, 8 : i32
    "tpu.region"() ({
      %run_scoped3A = tpu.sem_alloc : memref<!tpu.dma_semaphore, #tpu.memory_space<semaphore_mem>>
      %dma_start3A = arith.constant 0 : i32
      %dma_start3A_39 = arith.constant 0 : i32
      %dma_start3A_40 = tpu.memref_slice %arg11[%dma_start3A, %dma_start3A_39] : memref<128x128xf32, #tpu.memory_space<vmem>> -> memref<128x128xf32, #tpu.memory_space<vmem>>
      %dma_start3A_41 = arith.constant 0 : i32
      %dma_start3A_42 = tpu.memref_slice %arg13[%multiple_of3A_10, %dma_start3A_41] : memref<10112x128xf32, #tpu.memory_space<vmem_shared>> -> memref<128x128xf32, #tpu.memory_space<vmem_shared>>
      %dma_start3A_43 = arith.constant 0 : i32
      %dma_start3A_44 = tpu.memref_slice %arg13[%multiple_of3A_10, %dma_start3A_43] : memref<10112x128xf32, #tpu.memory_space<vmem_shared>> -> memref<128x128xf32, #tpu.memory_space<vmem_shared>>
      %dma_start3A_45 = arith.constant 0 : i32
      %dma_start3A_46 = arith.constant 0 : i32
      %dma_start3A_47 = tpu.memref_slice %arg11[%dma_start3A_45, %dma_start3A_46] : memref<128x128xf32, #tpu.memory_space<vmem>> -> memref<128x128xf32, #tpu.memory_space<vmem>>
      tpu.enqueue_dma source(%dma_start3A_47 : memref<128x128xf32, #tpu.memory_space<vmem>>) target(%dma_start3A_44 : memref<128x128xf32, #tpu.memory_space<vmem_shared>>) target_semaphore(%run_scoped3A : memref<!tpu.dma_semaphore, #tpu.memory_space<semaphore_mem>>)
      %dma_wait3A = arith.constant 0 : i32
      %dma_wait3A_48 = arith.constant 0 : i32
      %dma_wait3A_49 = tpu.memref_slice %arg11[%dma_wait3A, %dma_wait3A_48] : memref<128x128xf32, #tpu.memory_space<vmem>> -> memref<128x128xf32, #tpu.memory_space<vmem>>
      %dma_wait3A_50 = arith.constant 0 : i32
      %dma_wait3A_51 = tpu.memref_slice %arg13[%multiple_of3A_10, %dma_wait3A_50] : memref<10112x128xf32, #tpu.memory_space<vmem_shared>> -> memref<128x128xf32, #tpu.memory_space<vmem_shared>>
      %dma_wait3A_52 = arith.constant 0 : i32
      %dma_wait3A_53 = tpu.memref_slice %arg13[%multiple_of3A_10, %dma_wait3A_52] : memref<10112x128xf32, #tpu.memory_space<vmem_shared>> -> memref<128x128xf32, #tpu.memory_space<vmem_shared>>
      %dma_wait3A_54 = arith.constant 0 : i32
      %dma_wait3A_55 = arith.constant 0 : i32
      %dma_wait3A_56 = tpu.memref_slice %arg11[%dma_wait3A_54, %dma_wait3A_55] : memref<128x128xf32, #tpu.memory_space<vmem>> -> memref<128x128xf32, #tpu.memory_space<vmem>>
      tpu.wait_dma2 semaphore(%run_scoped3A : memref<!tpu.dma_semaphore, #tpu.memory_space<semaphore_mem>>) src(%dma_wait3A_56 : memref<128x128xf32, #tpu.memory_space<vmem>>) dst(%dma_wait3A_53 : memref<128x128xf32, #tpu.memory_space<vmem_shared>>)
      tpu.yield
    }) : () -> ()
    %add3A_11 = arith.constant 384 : i32
    %add3A_12 = arith.addi %mul3A_2, %add3A_11 : i32
    %multiple_of3A_13 = tpu.assume_multiple %add3A_12, 8 : i32
    "tpu.region"() ({
      %run_scoped3A = tpu.sem_alloc : memref<!tpu.dma_semaphore, #tpu.memory_space<semaphore_mem>>
      %dma_start3A = arith.constant 0 : i32
      %dma_start3A_39 = arith.constant 0 : i32
      %dma_start3A_40 = tpu.memref_slice %arg11[%dma_start3A, %dma_start3A_39] : memref<128x128xf32, #tpu.memory_space<vmem>> -> memref<128x128xf32, #tpu.memory_space<vmem>>
      %dma_start3A_41 = arith.constant 0 : i32
      %dma_start3A_42 = tpu.memref_slice %arg13[%multiple_of3A_13, %dma_start3A_41] : memref<10112x128xf32, #tpu.memory_space<vmem_shared>> -> memref<128x128xf32, #tpu.memory_space<vmem_shared>>
      %dma_start3A_43 = arith.constant 0 : i32
      %dma_start3A_44 = tpu.memref_slice %arg13[%multiple_of3A_13, %dma_start3A_43] : memref<10112x128xf32, #tpu.memory_space<vmem_shared>> -> memref<128x128xf32, #tpu.memory_space<vmem_shared>>
      %dma_start3A_45 = arith.constant 0 : i32
      %dma_start3A_46 = arith.constant 0 : i32
      %dma_start3A_47 = tpu.memref_slice %arg11[%dma_start3A_45, %dma_start3A_46] : memref<128x128xf32, #tpu.memory_space<vmem>> -> memref<128x128xf32, #tpu.memory_space<vmem>>
      tpu.enqueue_dma source(%dma_start3A_47 : memref<128x128xf32, #tpu.memory_space<vmem>>) target(%dma_start3A_44 : memref<128x128xf32, #tpu.memory_space<vmem_shared>>) target_semaphore(%run_scoped3A : memref<!tpu.dma_semaphore, #tpu.memory_space<semaphore_mem>>)
      %dma_wait3A = arith.constant 0 : i32
      %dma_wait3A_48 = arith.constant 0 : i32
      %dma_wait3A_49 = tpu.memref_slice %arg11[%dma_wait3A, %dma_wait3A_48] : memref<128x128xf32, #tpu.memory_space<vmem>> -> memref<128x128xf32, #tpu.memory_space<vmem>>
      %dma_wait3A_50 = arith.constant 0 : i32
      %dma_wait3A_51 = tpu.memref_slice %arg13[%multiple_of3A_13, %dma_wait3A_50] : memref<10112x128xf32, #tpu.memory_space<vmem_shared>> -> memref<128x128xf32, #tpu.memory_space<vmem_shared>>
      %dma_wait3A_52 = arith.constant 0 : i32
      %dma_wait3A_53 = tpu.memref_slice %arg13[%multiple_of3A_13, %dma_wait3A_52] : memref<10112x128xf32, #tpu.memory_space<vmem_shared>> -> memref<128x128xf32, #tpu.memory_space<vmem_shared>>
      %dma_wait3A_54 = arith.constant 0 : i32
      %dma_wait3A_55 = arith.constant 0 : i32
      %dma_wait3A_56 = tpu.memref_slice %arg11[%dma_wait3A_54, %dma_wait3A_55] : memref<128x128xf32, #tpu.memory_space<vmem>> -> memref<128x128xf32, #tpu.memory_space<vmem>>
      tpu.wait_dma2 semaphore(%run_scoped3A : memref<!tpu.dma_semaphore, #tpu.memory_space<semaphore_mem>>) src(%dma_wait3A_56 : memref<128x128xf32, #tpu.memory_space<vmem>>) dst(%dma_wait3A_53 : memref<128x128xf32, #tpu.memory_space<vmem_shared>>)
      tpu.yield
    }) : () -> ()
    %add3A_14 = arith.constant 512 : i32
    %add3A_15 = arith.addi %mul3A_2, %add3A_14 : i32
    %multiple_of3A_16 = tpu.assume_multiple %add3A_15, 8 : i32
    "tpu.region"() ({
      %run_scoped3A = tpu.sem_alloc : memref<!tpu.dma_semaphore, #tpu.memory_space<semaphore_mem>>
      %dma_start3A = arith.constant 0 : i32
      %dma_start3A_39 = arith.constant 0 : i32
      %dma_start3A_40 = tpu.memref_slice %arg11[%dma_start3A, %dma_start3A_39] : memref<128x128xf32, #tpu.memory_space<vmem>> -> memref<120x128xf32, #tpu.memory_space<vmem>>
      %dma_start3A_41 = arith.constant 0 : i32
      %dma_start3A_42 = tpu.memref_slice %arg13[%multiple_of3A_16, %dma_start3A_41] : memref<10112x128xf32, #tpu.memory_space<vmem_shared>> -> memref<120x128xf32, #tpu.memory_space<vmem_shared>>
      %dma_start3A_43 = arith.constant 0 : i32
      %dma_start3A_44 = tpu.memref_slice %arg13[%multiple_of3A_16, %dma_start3A_43] : memref<10112x128xf32, #tpu.memory_space<vmem_shared>> -> memref<120x128xf32, #tpu.memory_space<vmem_shared>>
      %dma_start3A_45 = arith.constant 0 : i32
      %dma_start3A_46 = arith.constant 0 : i32
      %dma_start3A_47 = tpu.memref_slice %arg11[%dma_start3A_45, %dma_start3A_46] : memref<128x128xf32, #tpu.memory_space<vmem>> -> memref<120x128xf32, #tpu.memory_space<vmem>>
      tpu.enqueue_dma source(%dma_start3A_47 : memref<120x128xf32, #tpu.memory_space<vmem>>) target(%dma_start3A_44 : memref<120x128xf32, #tpu.memory_space<vmem_shared>>) target_semaphore(%run_scoped3A : memref<!tpu.dma_semaphore, #tpu.memory_space<semaphore_mem>>)
      %dma_wait3A = arith.constant 0 : i32
      %dma_wait3A_48 = arith.constant 0 : i32
      %dma_wait3A_49 = tpu.memref_slice %arg11[%dma_wait3A, %dma_wait3A_48] : memref<128x128xf32, #tpu.memory_space<vmem>> -> memref<120x128xf32, #tpu.memory_space<vmem>>
      %dma_wait3A_50 = arith.constant 0 : i32
      %dma_wait3A_51 = tpu.memref_slice %arg13[%multiple_of3A_16, %dma_wait3A_50] : memref<10112x128xf32, #tpu.memory_space<vmem_shared>> -> memref<120x128xf32, #tpu.memory_space<vmem_shared>>
      %dma_wait3A_52 = arith.constant 0 : i32
      %dma_wait3A_53 = tpu.memref_slice %arg13[%multiple_of3A_16, %dma_wait3A_52] : memref<10112x128xf32, #tpu.memory_space<vmem_shared>> -> memref<120x128xf32, #tpu.memory_space<vmem_shared>>
      %dma_wait3A_54 = arith.constant 0 : i32
      %dma_wait3A_55 = arith.constant 0 : i32
      %dma_wait3A_56 = tpu.memref_slice %arg11[%dma_wait3A_54, %dma_wait3A_55] : memref<128x128xf32, #tpu.memory_space<vmem>> -> memref<120x128xf32, #tpu.memory_space<vmem>>
      tpu.wait_dma2 semaphore(%run_scoped3A : memref<!tpu.dma_semaphore, #tpu.memory_space<semaphore_mem>>) src(%dma_wait3A_56 : memref<120x128xf32, #tpu.memory_space<vmem>>) dst(%dma_wait3A_53 : memref<120x128xf32, #tpu.memory_space<vmem_shared>>)
      tpu.yield
    }) : () -> ()
    "tpu.region"() ({
      %run_scoped3A = tpu.sem_alloc : memref<!tpu.dma_semaphore, #tpu.memory_space<semaphore_mem>>
      tpu.enqueue_dma source(%arg6 : memref<10112xf32, #tpu.memory_space<hbm>>) target(%arg12 : memref<10112xf32, #tpu.memory_space<vmem>>) target_semaphore(%run_scoped3A : memref<!tpu.dma_semaphore, #tpu.memory_space<semaphore_mem>>)
      tpu.wait_dma2 semaphore(%run_scoped3A : memref<!tpu.dma_semaphore, #tpu.memory_space<semaphore_mem>>) src(%arg6 : memref<10112xf32, #tpu.memory_space<hbm>>) dst(%arg12 : memref<10112xf32, #tpu.memory_space<vmem>>)
      tpu.yield
    }) : () -> ()
    %barrier3A = arith.constant 0 : index
    tpu.barrier barrier_id(%barrier3A)
    %broadcast_in_dim3A = arith.constant 1.000000e+00 : f32
    %broadcast_in_dim3A_17 = vector.broadcast %broadcast_in_dim3A : f32 to vector<16xf32>
    %scan3A = arith.constant 0 : i32
    %scan3A_18 = arith.constant 0 : i32
    %scan3A_19 = arith.constant 79 : i32
    %scan3A_20 = arith.addi %scan3A_18, %scan3A_19 : i32
    %scan3A_21 = arith.constant 1 : i32
    scf.for %scan3A_39 = %scan3A_18 to %scan3A_20 step %scan3A_21  : i32 {
      %mul3A_40 = arith.constant 10112 : i32
      %mul3A_41 = arith.muli %add3A, %mul3A_40 : i32
      %mul3A_42 = arith.constant 128 : i32
      %mul3A_43 = arith.muli %scan3A_39, %mul3A_42 : i32
      %add3A_44 = arith.addi %mul3A_41, %mul3A_43 : i32
      %multiple_of3A_45 = tpu.assume_multiple %add3A_44, 128 : i32
      "tpu.region"() ({
        %run_scoped3A = tpu.sem_alloc : memref<!tpu.dma_semaphore, #tpu.memory_space<semaphore_mem>>
        %dma_start3A_65 = tpu.memref_slice %arg3[%multiple_of3A_45] : memref<323584xi32, #tpu.memory_space<hbm>> -> memref<128xi32, #tpu.memory_space<hbm>>
        %dma_start3A_66 = tpu.memref_slice %arg3[%multiple_of3A_45] : memref<323584xi32, #tpu.memory_space<hbm>> -> memref<128xi32, #tpu.memory_space<hbm>>
        tpu.enqueue_dma source(%dma_start3A_66 : memref<128xi32, #tpu.memory_space<hbm>>) target(%arg9 : memref<128xi32, #tpu.memory_space<vmem>>) target_semaphore(%run_scoped3A : memref<!tpu.dma_semaphore, #tpu.memory_space<semaphore_mem>>)
        %dma_wait3A_67 = tpu.memref_slice %arg3[%multiple_of3A_45] : memref<323584xi32, #tpu.memory_space<hbm>> -> memref<128xi32, #tpu.memory_space<hbm>>
        %dma_wait3A_68 = tpu.memref_slice %arg3[%multiple_of3A_45] : memref<323584xi32, #tpu.memory_space<hbm>> -> memref<128xi32, #tpu.memory_space<hbm>>
        tpu.wait_dma2 semaphore(%run_scoped3A : memref<!tpu.dma_semaphore, #tpu.memory_space<semaphore_mem>>) src(%dma_wait3A_68 : memref<128xi32, #tpu.memory_space<hbm>>) dst(%arg9 : memref<128xi32, #tpu.memory_space<vmem>>)
        tpu.yield
      }) : () -> ()
      "tpu.region"() ({
        %run_scoped3A = tpu.sem_alloc : memref<!tpu.dma_semaphore, #tpu.memory_space<semaphore_mem>>
        %dma_start3A_65 = tpu.memref_slice %arg4[%multiple_of3A_45] : memref<323584xi32, #tpu.memory_space<hbm>> -> memref<128xi32, #tpu.memory_space<hbm>>
        %dma_start3A_66 = tpu.memref_slice %arg4[%multiple_of3A_45] : memref<323584xi32, #tpu.memory_space<hbm>> -> memref<128xi32, #tpu.memory_space<hbm>>
        tpu.enqueue_dma source(%dma_start3A_66 : memref<128xi32, #tpu.memory_space<hbm>>) target(%arg10 : memref<128xi32, #tpu.memory_space<vmem>>) target_semaphore(%run_scoped3A : memref<!tpu.dma_semaphore, #tpu.memory_space<semaphore_mem>>)
        %dma_wait3A_67 = tpu.memref_slice %arg4[%multiple_of3A_45] : memref<323584xi32, #tpu.memory_space<hbm>> -> memref<128xi32, #tpu.memory_space<hbm>>
        %dma_wait3A_68 = tpu.memref_slice %arg4[%multiple_of3A_45] : memref<323584xi32, #tpu.memory_space<hbm>> -> memref<128xi32, #tpu.memory_space<hbm>>
        tpu.wait_dma2 semaphore(%run_scoped3A : memref<!tpu.dma_semaphore, #tpu.memory_space<semaphore_mem>>) src(%dma_wait3A_68 : memref<128xi32, #tpu.memory_space<hbm>>) dst(%arg10 : memref<128xi32, #tpu.memory_space<vmem>>)
        tpu.yield
      }) : () -> ()
      %dma_start3A = arith.constant 0 : i32
      %dma_start3A_46 = arith.constant 0 : i32
      %dma_start3A_47 = tpu.memref_slice %arg2[%dma_start3A, %dma_start3A_46] : memref<10000x128xf32, #tpu.memory_space<hbm>> -> memref<10000x128xf32, #tpu.memory_space<hbm>>
      tpu.enqueue_indirect_dma source(%dma_start3A_47 : memref<10000x128xf32, #tpu.memory_space<hbm>>) target(%arg11 : memref<128x128xf32, #tpu.memory_space<vmem>>) offsets(%arg9 : memref<128xi32, #tpu.memory_space<vmem>>) semaphore(%arg14 : memref<!tpu.dma_semaphore, #tpu.memory_space<semaphore_mem>>)
      %dma_wait3A = arith.constant 0 : i32
      %dma_wait3A_48 = arith.constant 0 : i32
      %dma_wait3A_49 = tpu.memref_slice %arg2[%dma_wait3A, %dma_wait3A_48] : memref<10000x128xf32, #tpu.memory_space<hbm>> -> memref<10000x128xf32, #tpu.memory_space<hbm>>
      tpu.wait_indirect_dma semaphore(%arg14 : memref<!tpu.dma_semaphore, #tpu.memory_space<semaphore_mem>>) src(%dma_wait3A_49 : memref<10000x128xf32, #tpu.memory_space<hbm>>) dst(%arg11 : memref<128x128xf32, #tpu.memory_space<vmem>>)
      "tpu.region"() ({
        %run_scoped3A = tpu.sem_alloc : memref<!tpu.dma_semaphore, #tpu.memory_space<semaphore_mem>>
        %dma_start3A_65 = arith.constant 0 : i32
        %dma_start3A_66 = arith.constant 0 : i32
        %dma_start3A_67 = tpu.memref_slice %arg13[%dma_start3A_65, %dma_start3A_66] : memref<10112x128xf32, #tpu.memory_space<vmem_shared>> -> memref<10112x128xf32, #tpu.memory_space<vmem_shared>>
        tpu.enqueue_indirect_dma source(%arg11 : memref<128x128xf32, #tpu.memory_space<vmem>>) target(%dma_start3A_67 : memref<10112x128xf32, #tpu.memory_space<vmem_shared>>) offsets(%arg10 : memref<128xi32, #tpu.memory_space<vmem>>) semaphore(%run_scoped3A : memref<!tpu.dma_semaphore, #tpu.memory_space<semaphore_mem>>) {add = true}
        %dma_wait3A_68 = arith.constant 0 : i32
        %dma_wait3A_69 = arith.constant 0 : i32
        %dma_wait3A_70 = tpu.memref_slice %arg13[%dma_wait3A_68, %dma_wait3A_69] : memref<10112x128xf32, #tpu.memory_space<vmem_shared>> -> memref<10112x128xf32, #tpu.memory_space<vmem_shared>>
        tpu.wait_indirect_dma semaphore(%run_scoped3A : memref<!tpu.dma_semaphore, #tpu.memory_space<semaphore_mem>>) src(%arg11 : memref<128x128xf32, #tpu.memory_space<vmem>>) dst(%dma_wait3A_70 : memref<10112x128xf32, #tpu.memory_space<vmem_shared>>)
        tpu.yield
      }) : () -> ()
      %get3A = arith.constant 0 : index
      %get3A_50 = tpu.vector_load %arg10[%get3A] {strides = array<i32>} : memref<128xi32, #tpu.memory_space<vmem>>, vector<16xi32>,
      tpu.vector_store_idx %arg12[%get3A_50], %broadcast_in_dim3A_17 {add = true} : memref<10112xf32, #tpu.memory_space<vmem>>[vector<16xi32>], vector<16xf32>,
      %get3A_51 = arith.constant 16 : index
      %get3A_52 = tpu.vector_load %arg10[%get3A_51] {strides = array<i32>} : memref<128xi32, #tpu.memory_space<vmem>>, vector<16xi32>,
      tpu.vector_store_idx %arg12[%get3A_52], %broadcast_in_dim3A_17 {add = true} : memref<10112xf32, #tpu.memory_space<vmem>>[vector<16xi32>], vector<16xf32>,
      %get3A_53 = arith.constant 32 : index
      %get3A_54 = tpu.vector_load %arg10[%get3A_53] {strides = array<i32>} : memref<128xi32, #tpu.memory_space<vmem>>, vector<16xi32>,
      tpu.vector_store_idx %arg12[%get3A_54], %broadcast_in_dim3A_17 {add = true} : memref<10112xf32, #tpu.memory_space<vmem>>[vector<16xi32>], vector<16xf32>,
      %get3A_55 = arith.constant 48 : index
      %get3A_56 = tpu.vector_load %arg10[%get3A_55] {strides = array<i32>} : memref<128xi32, #tpu.memory_space<vmem>>, vector<16xi32>,
      tpu.vector_store_idx %arg12[%get3A_56], %broadcast_in_dim3A_17 {add = true} : memref<10112xf32, #tpu.memory_space<vmem>>[vector<16xi32>], vector<16xf32>,
      %get3A_57 = arith.constant 64 : index
      %get3A_58 = tpu.vector_load %arg10[%get3A_57] {strides = array<i32>} : memref<128xi32, #tpu.memory_space<vmem>>, vector<16xi32>,
      tpu.vector_store_idx %arg12[%get3A_58], %broadcast_in_dim3A_17 {add = true} : memref<10112xf32, #tpu.memory_space<vmem>>[vector<16xi32>], vector<16xf32>,
      %get3A_59 = arith.constant 80 : index
      %get3A_60 = tpu.vector_load %arg10[%get3A_59] {strides = array<i32>} : memref<128xi32, #tpu.memory_space<vmem>>, vector<16xi32>,
      tpu.vector_store_idx %arg12[%get3A_60], %broadcast_in_dim3A_17 {add = true} : memref<10112xf32, #tpu.memory_space<vmem>>[vector<16xi32>], vector<16xf32>,
      %get3A_61 = arith.constant 96 : index
      %get3A_62 = tpu.vector_load %arg10[%get3A_61] {strides = array<i32>} : memref<128xi32, #tpu.memory_space<vmem>>, vector<16xi32>,
      tpu.vector_store_idx %arg12[%get3A_62], %broadcast_in_dim3A_17 {add = true} : memref<10112xf32, #tpu.memory_space<vmem>>[vector<16xi32>], vector<16xf32>,
      %get3A_63 = arith.constant 112 : index
      %get3A_64 = tpu.vector_load %arg10[%get3A_63] {strides = array<i32>} : memref<128xi32, #tpu.memory_space<vmem>>, vector<16xi32>,
      tpu.vector_store_idx %arg12[%get3A_64], %broadcast_in_dim3A_17 {add = true} : memref<10112xf32, #tpu.memory_space<vmem>>[vector<16xi32>], vector<16xf32>,
    }
    %scan3A_22 = arith.constant 79 : i32
    %barrier3A_23 = arith.constant 0 : index
    tpu.barrier barrier_id(%barrier3A_23)
    %add3A_24 = arith.constant 0 : i32
    %add3A_25 = arith.addi %mul3A_2, %add3A_24 : i32
    %multiple_of3A_26 = tpu.assume_multiple %add3A_25, 8 : i32
    "tpu.region"() ({
      %run_scoped3A = tpu.sem_alloc : memref<!tpu.dma_semaphore, #tpu.memory_space<semaphore_mem>>
      %dma_start3A = arith.constant 0 : i32
      %dma_start3A_39 = arith.constant 0 : i32
      %dma_start3A_40 = tpu.memref_slice %arg11[%dma_start3A, %dma_start3A_39] : memref<128x128xf32, #tpu.memory_space<vmem>> -> memref<128x128xf32, #tpu.memory_space<vmem>>
      %dma_start3A_41 = arith.constant 0 : i32
      %dma_start3A_42 = tpu.memref_slice %arg13[%multiple_of3A_26, %dma_start3A_41] : memref<10112x128xf32, #tpu.memory_space<vmem_shared>> -> memref<128x128xf32, #tpu.memory_space<vmem_shared>>
      %dma_start3A_43 = arith.constant 0 : i32
      %dma_start3A_44 = arith.constant 0 : i32
      %dma_start3A_45 = tpu.memref_slice %arg11[%dma_start3A_43, %dma_start3A_44] : memref<128x128xf32, #tpu.memory_space<vmem>> -> memref<128x128xf32, #tpu.memory_space<vmem>>
      %dma_start3A_46 = arith.constant 0 : i32
      %dma_start3A_47 = tpu.memref_slice %arg13[%multiple_of3A_26, %dma_start3A_46] : memref<10112x128xf32, #tpu.memory_space<vmem_shared>> -> memref<128x128xf32, #tpu.memory_space<vmem_shared>>
      tpu.enqueue_dma source(%dma_start3A_47 : memref<128x128xf32, #tpu.memory_space<vmem_shared>>) target(%dma_start3A_45 : memref<128x128xf32, #tpu.memory_space<vmem>>) target_semaphore(%run_scoped3A : memref<!tpu.dma_semaphore, #tpu.memory_space<semaphore_mem>>)
      %dma_wait3A = arith.constant 0 : i32
      %dma_wait3A_48 = arith.constant 0 : i32
      %dma_wait3A_49 = tpu.memref_slice %arg11[%dma_wait3A, %dma_wait3A_48] : memref<128x128xf32, #tpu.memory_space<vmem>> -> memref<128x128xf32, #tpu.memory_space<vmem>>
      %dma_wait3A_50 = arith.constant 0 : i32
      %dma_wait3A_51 = tpu.memref_slice %arg13[%multiple_of3A_26, %dma_wait3A_50] : memref<10112x128xf32, #tpu.memory_space<vmem_shared>> -> memref<128x128xf32, #tpu.memory_space<vmem_shared>>
      %dma_wait3A_52 = arith.constant 0 : i32
      %dma_wait3A_53 = arith.constant 0 : i32
      %dma_wait3A_54 = tpu.memref_slice %arg11[%dma_wait3A_52, %dma_wait3A_53] : memref<128x128xf32, #tpu.memory_space<vmem>> -> memref<128x128xf32, #tpu.memory_space<vmem>>
      %dma_wait3A_55 = arith.constant 0 : i32
      %dma_wait3A_56 = tpu.memref_slice %arg13[%multiple_of3A_26, %dma_wait3A_55] : memref<10112x128xf32, #tpu.memory_space<vmem_shared>> -> memref<128x128xf32, #tpu.memory_space<vmem_shared>>
      tpu.wait_dma2 semaphore(%run_scoped3A : memref<!tpu.dma_semaphore, #tpu.memory_space<semaphore_mem>>) src(%dma_wait3A_56 : memref<128x128xf32, #tpu.memory_space<vmem_shared>>) dst(%dma_wait3A_54 : memref<128x128xf32, #tpu.memory_space<vmem>>)
      tpu.yield
    }) : () -> ()
    "tpu.region"() ({
      %run_scoped3A = tpu.sem_alloc : memref<!tpu.dma_semaphore, #tpu.memory_space<semaphore_mem>>
      %dma_start3A = arith.constant 0 : i32
      %dma_start3A_39 = arith.constant 0 : i32
      %dma_start3A_40 = tpu.memref_slice %arg11[%dma_start3A, %dma_start3A_39] : memref<128x128xf32, #tpu.memory_space<vmem>> -> memref<128x128xf32, #tpu.memory_space<vmem>>
      %dma_start3A_41 = arith.constant 0 : i32
      %dma_start3A_42 = arith.constant 0 : i32
      %dma_start3A_43 = tpu.memref_slice %arg7[%arg0, %dma_start3A_41, %dma_start3A_42] : memref<2x10112x128xf32, #tpu.memory_space<hbm>> -> memref<1x10112x128xf32, #tpu.memory_space<hbm>>
      %dma_start3A_44 = tpu.memref_squeeze %dma_start3A_43 : memref<1x10112x128xf32, #tpu.memory_space<hbm>> -> memref<10112x128xf32, #tpu.memory_space<hbm>>
      %dma_start3A_45 = arith.constant 0 : i32
      %dma_start3A_46 = tpu.memref_slice %dma_start3A_44[%multiple_of3A_26, %dma_start3A_45] : memref<10112x128xf32, #tpu.memory_space<hbm>> -> memref<128x128xf32, #tpu.memory_space<hbm>>
      %dma_start3A_47 = arith.constant 0 : i32
      %dma_start3A_48 = arith.constant 0 : i32
      %dma_start3A_49 = tpu.memref_slice %arg7[%arg0, %dma_start3A_47, %dma_start3A_48] : memref<2x10112x128xf32, #tpu.memory_space<hbm>> -> memref<1x10112x128xf32, #tpu.memory_space<hbm>>
      %dma_start3A_50 = tpu.memref_squeeze %dma_start3A_49 : memref<1x10112x128xf32, #tpu.memory_space<hbm>> -> memref<10112x128xf32, #tpu.memory_space<hbm>>
      %dma_start3A_51 = arith.constant 0 : i32
      %dma_start3A_52 = tpu.memref_slice %dma_start3A_50[%multiple_of3A_26, %dma_start3A_51] : memref<10112x128xf32, #tpu.memory_space<hbm>> -> memref<128x128xf32, #tpu.memory_space<hbm>>
      %dma_start3A_53 = arith.constant 0 : i32
      %dma_start3A_54 = arith.constant 0 : i32
      %dma_start3A_55 = tpu.memref_slice %arg11[%dma_start3A_53, %dma_start3A_54] : memref<128x128xf32, #tpu.memory_space<vmem>> -> memref<128x128xf32, #tpu.memory_space<vmem>>
      tpu.enqueue_dma source(%dma_start3A_55 : memref<128x128xf32, #tpu.memory_space<vmem>>) target(%dma_start3A_52 : memref<128x128xf32, #tpu.memory_space<hbm>>) target_semaphore(%run_scoped3A : memref<!tpu.dma_semaphore, #tpu.memory_space<semaphore_mem>>)
      %dma_wait3A = arith.constant 0 : i32
      %dma_wait3A_56 = arith.constant 0 : i32
      %dma_wait3A_57 = tpu.memref_slice %arg11[%dma_wait3A, %dma_wait3A_56] : memref<128x128xf32, #tpu.memory_space<vmem>> -> memref<128x128xf32, #tpu.memory_space<vmem>>
      %dma_wait3A_58 = arith.constant 0 : i32
      %dma_wait3A_59 = arith.constant 0 : i32
      %dma_wait3A_60 = tpu.memref_slice %arg7[%arg0, %dma_wait3A_58, %dma_wait3A_59] : memref<2x10112x128xf32, #tpu.memory_space<hbm>> -> memref<1x10112x128xf32, #tpu.memory_space<hbm>>
      %dma_wait3A_61 = tpu.memref_squeeze %dma_wait3A_60 : memref<1x10112x128xf32, #tpu.memory_space<hbm>> -> memref<10112x128xf32, #tpu.memory_space<hbm>>
      %dma_wait3A_62 = arith.constant 0 : i32
      %dma_wait3A_63 = tpu.memref_slice %dma_wait3A_61[%multiple_of3A_26, %dma_wait3A_62] : memref<10112x128xf32, #tpu.memory_space<hbm>> -> memref<128x128xf32, #tpu.memory_space<hbm>>
      %dma_wait3A_64 = arith.constant 0 : i32
      %dma_wait3A_65 = arith.constant 0 : i32
      %dma_wait3A_66 = tpu.memref_slice %arg7[%arg0, %dma_wait3A_64, %dma_wait3A_65] : memref<2x10112x128xf32, #tpu.memory_space<hbm>> -> memref<1x10112x128xf32, #tpu.memory_space<hbm>>
      %dma_wait3A_67 = tpu.memref_squeeze %dma_wait3A_66 : memref<1x10112x128xf32, #tpu.memory_space<hbm>> -> memref<10112x128xf32, #tpu.memory_space<hbm>>
      %dma_wait3A_68 = arith.constant 0 : i32
      %dma_wait3A_69 = tpu.memref_slice %dma_wait3A_67[%multiple_of3A_26, %dma_wait3A_68] : memref<10112x128xf32, #tpu.memory_space<hbm>> -> memref<128x128xf32, #tpu.memory_space<hbm>>
      %dma_wait3A_70 = arith.constant 0 : i32
      %dma_wait3A_71 = arith.constant 0 : i32
      %dma_wait3A_72 = tpu.memref_slice %arg11[%dma_wait3A_70, %dma_wait3A_71] : memref<128x128xf32, #tpu.memory_space<vmem>> -> memref<128x128xf32, #tpu.memory_space<vmem>>
      tpu.wait_dma2 semaphore(%run_scoped3A : memref<!tpu.dma_semaphore, #tpu.memory_space<semaphore_mem>>) src(%dma_wait3A_72 : memref<128x128xf32, #tpu.memory_space<vmem>>) dst(%dma_wait3A_69 : memref<128x128xf32, #tpu.memory_space<hbm>>)
      tpu.yield
    }) : () -> ()
    %add3A_27 = arith.constant 128 : i32
    %add3A_28 = arith.addi %mul3A_2, %add3A_27 : i32
    %multiple_of3A_29 = tpu.assume_multiple %add3A_28, 8 : i32
    "tpu.region"() ({
      %run_scoped3A = tpu.sem_alloc : memref<!tpu.dma_semaphore, #tpu.memory_space<semaphore_mem>>
      %dma_start3A = arith.constant 0 : i32
      %dma_start3A_39 = arith.constant 0 : i32
      %dma_start3A_40 = tpu.memref_slice %arg11[%dma_start3A, %dma_start3A_39] : memref<128x128xf32, #tpu.memory_space<vmem>> -> memref<128x128xf32, #tpu.memory_space<vmem>>
      %dma_start3A_41 = arith.constant 0 : i32
      %dma_start3A_42 = tpu.memref_slice %arg13[%multiple_of3A_29, %dma_start3A_41] : memref<10112x128xf32, #tpu.memory_space<vmem_shared>> -> memref<128x128xf32, #tpu.memory_space<vmem_shared>>
      %dma_start3A_43 = arith.constant 0 : i32
      %dma_start3A_44 = arith.constant 0 : i32
      %dma_start3A_45 = tpu.memref_slice %arg11[%dma_start3A_43, %dma_start3A_44] : memref<128x128xf32, #tpu.memory_space<vmem>> -> memref<128x128xf32, #tpu.memory_space<vmem>>
      %dma_start3A_46 = arith.constant 0 : i32
      %dma_start3A_47 = tpu.memref_slice %arg13[%multiple_of3A_29, %dma_start3A_46] : memref<10112x128xf32, #tpu.memory_space<vmem_shared>> -> memref<128x128xf32, #tpu.memory_space<vmem_shared>>
      tpu.enqueue_dma source(%dma_start3A_47 : memref<128x128xf32, #tpu.memory_space<vmem_shared>>) target(%dma_start3A_45 : memref<128x128xf32, #tpu.memory_space<vmem>>) target_semaphore(%run_scoped3A : memref<!tpu.dma_semaphore, #tpu.memory_space<semaphore_mem>>)
      %dma_wait3A = arith.constant 0 : i32
      %dma_wait3A_48 = arith.constant 0 : i32
      %dma_wait3A_49 = tpu.memref_slice %arg11[%dma_wait3A, %dma_wait3A_48] : memref<128x128xf32, #tpu.memory_space<vmem>> -> memref<128x128xf32, #tpu.memory_space<vmem>>
      %dma_wait3A_50 = arith.constant 0 : i32
      %dma_wait3A_51 = tpu.memref_slice %arg13[%multiple_of3A_29, %dma_wait3A_50] : memref<10112x128xf32, #tpu.memory_space<vmem_shared>> -> memref<128x128xf32, #tpu.memory_space<vmem_shared>>
      %dma_wait3A_52 = arith.constant 0 : i32
      %dma_wait3A_53 = arith.constant 0 : i32
      %dma_wait3A_54 = tpu.memref_slice %arg11[%dma_wait3A_52, %dma_wait3A_53] : memref<128x128xf32, #tpu.memory_space<vmem>> -> memref<128x128xf32, #tpu.memory_space<vmem>>
      %dma_wait3A_55 = arith.constant 0 : i32
      %dma_wait3A_56 = tpu.memref_slice %arg13[%multiple_of3A_29, %dma_wait3A_55] : memref<10112x128xf32, #tpu.memory_space<vmem_shared>> -> memref<128x128xf32, #tpu.memory_space<vmem_shared>>
      tpu.wait_dma2 semaphore(%run_scoped3A : memref<!tpu.dma_semaphore, #tpu.memory_space<semaphore_mem>>) src(%dma_wait3A_56 : memref<128x128xf32, #tpu.memory_space<vmem_shared>>) dst(%dma_wait3A_54 : memref<128x128xf32, #tpu.memory_space<vmem>>)
      tpu.yield
    }) : () -> ()
    "tpu.region"() ({
      %run_scoped3A = tpu.sem_alloc : memref<!tpu.dma_semaphore, #tpu.memory_space<semaphore_mem>>
      %dma_start3A = arith.constant 0 : i32
      %dma_start3A_39 = arith.constant 0 : i32
      %dma_start3A_40 = tpu.memref_slice %arg11[%dma_start3A, %dma_start3A_39] : memref<128x128xf32, #tpu.memory_space<vmem>> -> memref<128x128xf32, #tpu.memory_space<vmem>>
      %dma_start3A_41 = arith.constant 0 : i32
      %dma_start3A_42 = arith.constant 0 : i32
      %dma_start3A_43 = tpu.memref_slice %arg7[%arg0, %dma_start3A_41, %dma_start3A_42] : memref<2x10112x128xf32, #tpu.memory_space<hbm>> -> memref<1x10112x128xf32, #tpu.memory_space<hbm>>
      %dma_start3A_44 = tpu.memref_squeeze %dma_start3A_43 : memref<1x10112x128xf32, #tpu.memory_space<hbm>> -> memref<10112x128xf32, #tpu.memory_space<hbm>>
      %dma_start3A_45 = arith.constant 0 : i32
      %dma_start3A_46 = tpu.memref_slice %dma_start3A_44[%multiple_of3A_29, %dma_start3A_45] : memref<10112x128xf32, #tpu.memory_space<hbm>> -> memref<128x128xf32, #tpu.memory_space<hbm>>
      %dma_start3A_47 = arith.constant 0 : i32
      %dma_start3A_48 = arith.constant 0 : i32
      %dma_start3A_49 = tpu.memref_slice %arg7[%arg0, %dma_start3A_47, %dma_start3A_48] : memref<2x10112x128xf32, #tpu.memory_space<hbm>> -> memref<1x10112x128xf32, #tpu.memory_space<hbm>>
      %dma_start3A_50 = tpu.memref_squeeze %dma_start3A_49 : memref<1x10112x128xf32, #tpu.memory_space<hbm>> -> memref<10112x128xf32, #tpu.memory_space<hbm>>
      %dma_start3A_51 = arith.constant 0 : i32
      %dma_start3A_52 = tpu.memref_slice %dma_start3A_50[%multiple_of3A_29, %dma_start3A_51] : memref<10112x128xf32, #tpu.memory_space<hbm>> -> memref<128x128xf32, #tpu.memory_space<hbm>>
      %dma_start3A_53 = arith.constant 0 : i32
      %dma_start3A_54 = arith.constant 0 : i32
      %dma_start3A_55 = tpu.memref_slice %arg11[%dma_start3A_53, %dma_start3A_54] : memref<128x128xf32, #tpu.memory_space<vmem>> -> memref<128x128xf32, #tpu.memory_space<vmem>>
      tpu.enqueue_dma source(%dma_start3A_55 : memref<128x128xf32, #tpu.memory_space<vmem>>) target(%dma_start3A_52 : memref<128x128xf32, #tpu.memory_space<hbm>>) target_semaphore(%run_scoped3A : memref<!tpu.dma_semaphore, #tpu.memory_space<semaphore_mem>>)
      %dma_wait3A = arith.constant 0 : i32
      %dma_wait3A_56 = arith.constant 0 : i32
      %dma_wait3A_57 = tpu.memref_slice %arg11[%dma_wait3A, %dma_wait3A_56] : memref<128x128xf32, #tpu.memory_space<vmem>> -> memref<128x128xf32, #tpu.memory_space<vmem>>
      %dma_wait3A_58 = arith.constant 0 : i32
      %dma_wait3A_59 = arith.constant 0 : i32
      %dma_wait3A_60 = tpu.memref_slice %arg7[%arg0, %dma_wait3A_58, %dma_wait3A_59] : memref<2x10112x128xf32, #tpu.memory_space<hbm>> -> memref<1x10112x128xf32, #tpu.memory_space<hbm>>
      %dma_wait3A_61 = tpu.memref_squeeze %dma_wait3A_60 : memref<1x10112x128xf32, #tpu.memory_space<hbm>> -> memref<10112x128xf32, #tpu.memory_space<hbm>>
      %dma_wait3A_62 = arith.constant 0 : i32
      %dma_wait3A_63 = tpu.memref_slice %dma_wait3A_61[%multiple_of3A_29, %dma_wait3A_62] : memref<10112x128xf32, #tpu.memory_space<hbm>> -> memref<128x128xf32, #tpu.memory_space<hbm>>
      %dma_wait3A_64 = arith.constant 0 : i32
      %dma_wait3A_65 = arith.constant 0 : i32
      %dma_wait3A_66 = tpu.memref_slice %arg7[%arg0, %dma_wait3A_64, %dma_wait3A_65] : memref<2x10112x128xf32, #tpu.memory_space<hbm>> -> memref<1x10112x128xf32, #tpu.memory_space<hbm>>
      %dma_wait3A_67 = tpu.memref_squeeze %dma_wait3A_66 : memref<1x10112x128xf32, #tpu.memory_space<hbm>> -> memref<10112x128xf32, #tpu.memory_space<hbm>>
      %dma_wait3A_68 = arith.constant 0 : i32
      %dma_wait3A_69 = tpu.memref_slice %dma_wait3A_67[%multiple_of3A_29, %dma_wait3A_68] : memref<10112x128xf32, #tpu.memory_space<hbm>> -> memref<128x128xf32, #tpu.memory_space<hbm>>
      %dma_wait3A_70 = arith.constant 0 : i32
      %dma_wait3A_71 = arith.constant 0 : i32
      %dma_wait3A_72 = tpu.memref_slice %arg11[%dma_wait3A_70, %dma_wait3A_71] : memref<128x128xf32, #tpu.memory_space<vmem>> -> memref<128x128xf32, #tpu.memory_space<vmem>>
      tpu.wait_dma2 semaphore(%run_scoped3A : memref<!tpu.dma_semaphore, #tpu.memory_space<semaphore_mem>>) src(%dma_wait3A_72 : memref<128x128xf32, #tpu.memory_space<vmem>>) dst(%dma_wait3A_69 : memref<128x128xf32, #tpu.memory_space<hbm>>)
      tpu.yield
    }) : () -> ()
    %add3A_30 = arith.constant 256 : i32
    %add3A_31 = arith.addi %mul3A_2, %add3A_30 : i32
    %multiple_of3A_32 = tpu.assume_multiple %add3A_31, 8 : i32
    "tpu.region"() ({
      %run_scoped3A = tpu.sem_alloc : memref<!tpu.dma_semaphore, #tpu.memory_space<semaphore_mem>>
      %dma_start3A = arith.constant 0 : i32
      %dma_start3A_39 = arith.constant 0 : i32
      %dma_start3A_40 = tpu.memref_slice %arg11[%dma_start3A, %dma_start3A_39] : memref<128x128xf32, #tpu.memory_space<vmem>> -> memref<128x128xf32, #tpu.memory_space<vmem>>
      %dma_start3A_41 = arith.constant 0 : i32
      %dma_start3A_42 = tpu.memref_slice %arg13[%multiple_of3A_32, %dma_start3A_41] : memref<10112x128xf32, #tpu.memory_space<vmem_shared>> -> memref<128x128xf32, #tpu.memory_space<vmem_shared>>
      %dma_start3A_43 = arith.constant 0 : i32
      %dma_start3A_44 = arith.constant 0 : i32
      %dma_start3A_45 = tpu.memref_slice %arg11[%dma_start3A_43, %dma_start3A_44] : memref<128x128xf32, #tpu.memory_space<vmem>> -> memref<128x128xf32, #tpu.memory_space<vmem>>
      %dma_start3A_46 = arith.constant 0 : i32
      %dma_start3A_47 = tpu.memref_slice %arg13[%multiple_of3A_32, %dma_start3A_46] : memref<10112x128xf32, #tpu.memory_space<vmem_shared>> -> memref<128x128xf32, #tpu.memory_space<vmem_shared>>
      tpu.enqueue_dma source(%dma_start3A_47 : memref<128x128xf32, #tpu.memory_space<vmem_shared>>) target(%dma_start3A_45 : memref<128x128xf32, #tpu.memory_space<vmem>>) target_semaphore(%run_scoped3A : memref<!tpu.dma_semaphore, #tpu.memory_space<semaphore_mem>>)
      %dma_wait3A = arith.constant 0 : i32
      %dma_wait3A_48 = arith.constant 0 : i32
      %dma_wait3A_49 = tpu.memref_slice %arg11[%dma_wait3A, %dma_wait3A_48] : memref<128x128xf32, #tpu.memory_space<vmem>> -> memref<128x128xf32, #tpu.memory_space<vmem>>
      %dma_wait3A_50 = arith.constant 0 : i32
      %dma_wait3A_51 = tpu.memref_slice %arg13[%multiple_of3A_32, %dma_wait3A_50] : memref<10112x128xf32, #tpu.memory_space<vmem_shared>> -> memref<128x128xf32, #tpu.memory_space<vmem_shared>>
      %dma_wait3A_52 = arith.constant 0 : i32
      %dma_wait3A_53 = arith.constant 0 : i32
      %dma_wait3A_54 = tpu.memref_slice %arg11[%dma_wait3A_52, %dma_wait3A_53] : memref<128x128xf32, #tpu.memory_space<vmem>> -> memref<128x128xf32, #tpu.memory_space<vmem>>
      %dma_wait3A_55 = arith.constant 0 : i32
      %dma_wait3A_56 = tpu.memref_slice %arg13[%multiple_of3A_32, %dma_wait3A_55] : memref<10112x128xf32, #tpu.memory_space<vmem_shared>> -> memref<128x128xf32, #tpu.memory_space<vmem_shared>>
      tpu.wait_dma2 semaphore(%run_scoped3A : memref<!tpu.dma_semaphore, #tpu.memory_space<semaphore_mem>>) src(%dma_wait3A_56 : memref<128x128xf32, #tpu.memory_space<vmem_shared>>) dst(%dma_wait3A_54 : memref<128x128xf32, #tpu.memory_space<vmem>>)
      tpu.yield
    }) : () -> ()
    "tpu.region"() ({
      %run_scoped3A = tpu.sem_alloc : memref<!tpu.dma_semaphore, #tpu.memory_space<semaphore_mem>>
      %dma_start3A = arith.constant 0 : i32
      %dma_start3A_39 = arith.constant 0 : i32
      %dma_start3A_40 = tpu.memref_slice %arg11[%dma_start3A, %dma_start3A_39] : memref<128x128xf32, #tpu.memory_space<vmem>> -> memref<128x128xf32, #tpu.memory_space<vmem>>
      %dma_start3A_41 = arith.constant 0 : i32
      %dma_start3A_42 = arith.constant 0 : i32
      %dma_start3A_43 = tpu.memref_slice %arg7[%arg0, %dma_start3A_41, %dma_start3A_42] : memref<2x10112x128xf32, #tpu.memory_space<hbm>> -> memref<1x10112x128xf32, #tpu.memory_space<hbm>>
      %dma_start3A_44 = tpu.memref_squeeze %dma_start3A_43 : memref<1x10112x128xf32, #tpu.memory_space<hbm>> -> memref<10112x128xf32, #tpu.memory_space<hbm>>
      %dma_start3A_45 = arith.constant 0 : i32
      %dma_start3A_46 = tpu.memref_slice %dma_start3A_44[%multiple_of3A_32, %dma_start3A_45] : memref<10112x128xf32, #tpu.memory_space<hbm>> -> memref<128x128xf32, #tpu.memory_space<hbm>>
      %dma_start3A_47 = arith.constant 0 : i32
      %dma_start3A_48 = arith.constant 0 : i32
      %dma_start3A_49 = tpu.memref_slice %arg7[%arg0, %dma_start3A_47, %dma_start3A_48] : memref<2x10112x128xf32, #tpu.memory_space<hbm>> -> memref<1x10112x128xf32, #tpu.memory_space<hbm>>
      %dma_start3A_50 = tpu.memref_squeeze %dma_start3A_49 : memref<1x10112x128xf32, #tpu.memory_space<hbm>> -> memref<10112x128xf32, #tpu.memory_space<hbm>>
      %dma_start3A_51 = arith.constant 0 : i32
      %dma_start3A_52 = tpu.memref_slice %dma_start3A_50[%multiple_of3A_32, %dma_start3A_51] : memref<10112x128xf32, #tpu.memory_space<hbm>> -> memref<128x128xf32, #tpu.memory_space<hbm>>
      %dma_start3A_53 = arith.constant 0 : i32
      %dma_start3A_54 = arith.constant 0 : i32
      %dma_start3A_55 = tpu.memref_slice %arg11[%dma_start3A_53, %dma_start3A_54] : memref<128x128xf32, #tpu.memory_space<vmem>> -> memref<128x128xf32, #tpu.memory_space<vmem>>
      tpu.enqueue_dma source(%dma_start3A_55 : memref<128x128xf32, #tpu.memory_space<vmem>>) target(%dma_start3A_52 : memref<128x128xf32, #tpu.memory_space<hbm>>) target_semaphore(%run_scoped3A : memref<!tpu.dma_semaphore, #tpu.memory_space<semaphore_mem>>)
      %dma_wait3A = arith.constant 0 : i32
      %dma_wait3A_56 = arith.constant 0 : i32
      %dma_wait3A_57 = tpu.memref_slice %arg11[%dma_wait3A, %dma_wait3A_56] : memref<128x128xf32, #tpu.memory_space<vmem>> -> memref<128x128xf32, #tpu.memory_space<vmem>>
      %dma_wait3A_58 = arith.constant 0 : i32
      %dma_wait3A_59 = arith.constant 0 : i32
      %dma_wait3A_60 = tpu.memref_slice %arg7[%arg0, %dma_wait3A_58, %dma_wait3A_59] : memref<2x10112x128xf32, #tpu.memory_space<hbm>> -> memref<1x10112x128xf32, #tpu.memory_space<hbm>>
      %dma_wait3A_61 = tpu.memref_squeeze %dma_wait3A_60 : memref<1x10112x128xf32, #tpu.memory_space<hbm>> -> memref<10112x128xf32, #tpu.memory_space<hbm>>
      %dma_wait3A_62 = arith.constant 0 : i32
      %dma_wait3A_63 = tpu.memref_slice %dma_wait3A_61[%multiple_of3A_32, %dma_wait3A_62] : memref<10112x128xf32, #tpu.memory_space<hbm>> -> memref<128x128xf32, #tpu.memory_space<hbm>>
      %dma_wait3A_64 = arith.constant 0 : i32
      %dma_wait3A_65 = arith.constant 0 : i32
      %dma_wait3A_66 = tpu.memref_slice %arg7[%arg0, %dma_wait3A_64, %dma_wait3A_65] : memref<2x10112x128xf32, #tpu.memory_space<hbm>> -> memref<1x10112x128xf32, #tpu.memory_space<hbm>>
      %dma_wait3A_67 = tpu.memref_squeeze %dma_wait3A_66 : memref<1x10112x128xf32, #tpu.memory_space<hbm>> -> memref<10112x128xf32, #tpu.memory_space<hbm>>
      %dma_wait3A_68 = arith.constant 0 : i32
      %dma_wait3A_69 = tpu.memref_slice %dma_wait3A_67[%multiple_of3A_32, %dma_wait3A_68] : memref<10112x128xf32, #tpu.memory_space<hbm>> -> memref<128x128xf32, #tpu.memory_space<hbm>>
      %dma_wait3A_70 = arith.constant 0 : i32
      %dma_wait3A_71 = arith.constant 0 : i32
      %dma_wait3A_72 = tpu.memref_slice %arg11[%dma_wait3A_70, %dma_wait3A_71] : memref<128x128xf32, #tpu.memory_space<vmem>> -> memref<128x128xf32, #tpu.memory_space<vmem>>
      tpu.wait_dma2 semaphore(%run_scoped3A : memref<!tpu.dma_semaphore, #tpu.memory_space<semaphore_mem>>) src(%dma_wait3A_72 : memref<128x128xf32, #tpu.memory_space<vmem>>) dst(%dma_wait3A_69 : memref<128x128xf32, #tpu.memory_space<hbm>>)
      tpu.yield
    }) : () -> ()
    %add3A_33 = arith.constant 384 : i32
    %add3A_34 = arith.addi %mul3A_2, %add3A_33 : i32
    %multiple_of3A_35 = tpu.assume_multiple %add3A_34, 8 : i32
    "tpu.region"() ({
      %run_scoped3A = tpu.sem_alloc : memref<!tpu.dma_semaphore, #tpu.memory_space<semaphore_mem>>
      %dma_start3A = arith.constant 0 : i32
      %dma_start3A_39 = arith.constant 0 : i32
      %dma_start3A_40 = tpu.memref_slice %arg11[%dma_start3A, %dma_start3A_39] : memref<128x128xf32, #tpu.memory_space<vmem>> -> memref<128x128xf32, #tpu.memory_space<vmem>>
      %dma_start3A_41 = arith.constant 0 : i32
      %dma_start3A_42 = tpu.memref_slice %arg13[%multiple_of3A_35, %dma_start3A_41] : memref<10112x128xf32, #tpu.memory_space<vmem_shared>> -> memref<128x128xf32, #tpu.memory_space<vmem_shared>>
      %dma_start3A_43 = arith.constant 0 : i32
      %dma_start3A_44 = arith.constant 0 : i32
      %dma_start3A_45 = tpu.memref_slice %arg11[%dma_start3A_43, %dma_start3A_44] : memref<128x128xf32, #tpu.memory_space<vmem>> -> memref<128x128xf32, #tpu.memory_space<vmem>>
      %dma_start3A_46 = arith.constant 0 : i32
      %dma_start3A_47 = tpu.memref_slice %arg13[%multiple_of3A_35, %dma_start3A_46] : memref<10112x128xf32, #tpu.memory_space<vmem_shared>> -> memref<128x128xf32, #tpu.memory_space<vmem_shared>>
      tpu.enqueue_dma source(%dma_start3A_47 : memref<128x128xf32, #tpu.memory_space<vmem_shared>>) target(%dma_start3A_45 : memref<128x128xf32, #tpu.memory_space<vmem>>) target_semaphore(%run_scoped3A : memref<!tpu.dma_semaphore, #tpu.memory_space<semaphore_mem>>)
      %dma_wait3A = arith.constant 0 : i32
      %dma_wait3A_48 = arith.constant 0 : i32
      %dma_wait3A_49 = tpu.memref_slice %arg11[%dma_wait3A, %dma_wait3A_48] : memref<128x128xf32, #tpu.memory_space<vmem>> -> memref<128x128xf32, #tpu.memory_space<vmem>>
      %dma_wait3A_50 = arith.constant 0 : i32
      %dma_wait3A_51 = tpu.memref_slice %arg13[%multiple_of3A_35, %dma_wait3A_50] : memref<10112x128xf32, #tpu.memory_space<vmem_shared>> -> memref<128x128xf32, #tpu.memory_space<vmem_shared>>
      %dma_wait3A_52 = arith.constant 0 : i32
      %dma_wait3A_53 = arith.constant 0 : i32
      %dma_wait3A_54 = tpu.memref_slice %arg11[%dma_wait3A_52, %dma_wait3A_53] : memref<128x128xf32, #tpu.memory_space<vmem>> -> memref<128x128xf32, #tpu.memory_space<vmem>>
      %dma_wait3A_55 = arith.constant 0 : i32
      %dma_wait3A_56 = tpu.memref_slice %arg13[%multiple_of3A_35, %dma_wait3A_55] : memref<10112x128xf32, #tpu.memory_space<vmem_shared>> -> memref<128x128xf32, #tpu.memory_space<vmem_shared>>
      tpu.wait_dma2 semaphore(%run_scoped3A : memref<!tpu.dma_semaphore, #tpu.memory_space<semaphore_mem>>) src(%dma_wait3A_56 : memref<128x128xf32, #tpu.memory_space<vmem_shared>>) dst(%dma_wait3A_54 : memref<128x128xf32, #tpu.memory_space<vmem>>)
      tpu.yield
    }) : () -> ()
    "tpu.region"() ({
      %run_scoped3A = tpu.sem_alloc : memref<!tpu.dma_semaphore, #tpu.memory_space<semaphore_mem>>
      %dma_start3A = arith.constant 0 : i32
      %dma_start3A_39 = arith.constant 0 : i32
      %dma_start3A_40 = tpu.memref_slice %arg11[%dma_start3A, %dma_start3A_39] : memref<128x128xf32, #tpu.memory_space<vmem>> -> memref<128x128xf32, #tpu.memory_space<vmem>>
      %dma_start3A_41 = arith.constant 0 : i32
      %dma_start3A_42 = arith.constant 0 : i32
      %dma_start3A_43 = tpu.memref_slice %arg7[%arg0, %dma_start3A_41, %dma_start3A_42] : memref<2x10112x128xf32, #tpu.memory_space<hbm>> -> memref<1x10112x128xf32, #tpu.memory_space<hbm>>
      %dma_start3A_44 = tpu.memref_squeeze %dma_start3A_43 : memref<1x10112x128xf32, #tpu.memory_space<hbm>> -> memref<10112x128xf32, #tpu.memory_space<hbm>>
      %dma_start3A_45 = arith.constant 0 : i32
      %dma_start3A_46 = tpu.memref_slice %dma_start3A_44[%multiple_of3A_35, %dma_start3A_45] : memref<10112x128xf32, #tpu.memory_space<hbm>> -> memref<128x128xf32, #tpu.memory_space<hbm>>
      %dma_start3A_47 = arith.constant 0 : i32
      %dma_start3A_48 = arith.constant 0 : i32
      %dma_start3A_49 = tpu.memref_slice %arg7[%arg0, %dma_start3A_47, %dma_start3A_48] : memref<2x10112x128xf32, #tpu.memory_space<hbm>> -> memref<1x10112x128xf32, #tpu.memory_space<hbm>>
      %dma_start3A_50 = tpu.memref_squeeze %dma_start3A_49 : memref<1x10112x128xf32, #tpu.memory_space<hbm>> -> memref<10112x128xf32, #tpu.memory_space<hbm>>
      %dma_start3A_51 = arith.constant 0 : i32
      %dma_start3A_52 = tpu.memref_slice %dma_start3A_50[%multiple_of3A_35, %dma_start3A_51] : memref<10112x128xf32, #tpu.memory_space<hbm>> -> memref<128x128xf32, #tpu.memory_space<hbm>>
      %dma_start3A_53 = arith.constant 0 : i32
      %dma_start3A_54 = arith.constant 0 : i32
      %dma_start3A_55 = tpu.memref_slice %arg11[%dma_start3A_53, %dma_start3A_54] : memref<128x128xf32, #tpu.memory_space<vmem>> -> memref<128x128xf32, #tpu.memory_space<vmem>>
      tpu.enqueue_dma source(%dma_start3A_55 : memref<128x128xf32, #tpu.memory_space<vmem>>) target(%dma_start3A_52 : memref<128x128xf32, #tpu.memory_space<hbm>>) target_semaphore(%run_scoped3A : memref<!tpu.dma_semaphore, #tpu.memory_space<semaphore_mem>>)
      %dma_wait3A = arith.constant 0 : i32
      %dma_wait3A_56 = arith.constant 0 : i32
      %dma_wait3A_57 = tpu.memref_slice %arg11[%dma_wait3A, %dma_wait3A_56] : memref<128x128xf32, #tpu.memory_space<vmem>> -> memref<128x128xf32, #tpu.memory_space<vmem>>
      %dma_wait3A_58 = arith.constant 0 : i32
      %dma_wait3A_59 = arith.constant 0 : i32
      %dma_wait3A_60 = tpu.memref_slice %arg7[%arg0, %dma_wait3A_58, %dma_wait3A_59] : memref<2x10112x128xf32, #tpu.memory_space<hbm>> -> memref<1x10112x128xf32, #tpu.memory_space<hbm>>
      %dma_wait3A_61 = tpu.memref_squeeze %dma_wait3A_60 : memref<1x10112x128xf32, #tpu.memory_space<hbm>> -> memref<10112x128xf32, #tpu.memory_space<hbm>>
      %dma_wait3A_62 = arith.constant 0 : i32
      %dma_wait3A_63 = tpu.memref_slice %dma_wait3A_61[%multiple_of3A_35, %dma_wait3A_62] : memref<10112x128xf32, #tpu.memory_space<hbm>> -> memref<128x128xf32, #tpu.memory_space<hbm>>
      %dma_wait3A_64 = arith.constant 0 : i32
      %dma_wait3A_65 = arith.constant 0 : i32
      %dma_wait3A_66 = tpu.memref_slice %arg7[%arg0, %dma_wait3A_64, %dma_wait3A_65] : memref<2x10112x128xf32, #tpu.memory_space<hbm>> -> memref<1x10112x128xf32, #tpu.memory_space<hbm>>
      %dma_wait3A_67 = tpu.memref_squeeze %dma_wait3A_66 : memref<1x10112x128xf32, #tpu.memory_space<hbm>> -> memref<10112x128xf32, #tpu.memory_space<hbm>>
      %dma_wait3A_68 = arith.constant 0 : i32
      %dma_wait3A_69 = tpu.memref_slice %dma_wait3A_67[%multiple_of3A_35, %dma_wait3A_68] : memref<10112x128xf32, #tpu.memory_space<hbm>> -> memref<128x128xf32, #tpu.memory_space<hbm>>
      %dma_wait3A_70 = arith.constant 0 : i32
      %dma_wait3A_71 = arith.constant 0 : i32
      %dma_wait3A_72 = tpu.memref_slice %arg11[%dma_wait3A_70, %dma_wait3A_71] : memref<128x128xf32, #tpu.memory_space<vmem>> -> memref<128x128xf32, #tpu.memory_space<vmem>>
      tpu.wait_dma2 semaphore(%run_scoped3A : memref<!tpu.dma_semaphore, #tpu.memory_space<semaphore_mem>>) src(%dma_wait3A_72 : memref<128x128xf32, #tpu.memory_space<vmem>>) dst(%dma_wait3A_69 : memref<128x128xf32, #tpu.memory_space<hbm>>)
      tpu.yield
    }) : () -> ()
    %add3A_36 = arith.constant 512 : i32
    %add3A_37 = arith.addi %mul3A_2, %add3A_36 : i32
    %multiple_of3A_38 = tpu.assume_multiple %add3A_37, 8 : i32
    "tpu.region"() ({
      %run_scoped3A = tpu.sem_alloc : memref<!tpu.dma_semaphore, #tpu.memory_space<semaphore_mem>>
      %dma_start3A = arith.constant 0 : i32
      %dma_start3A_39 = arith.constant 0 : i32
      %dma_start3A_40 = tpu.memref_slice %arg11[%dma_start3A, %dma_start3A_39] : memref<128x128xf32, #tpu.memory_space<vmem>> -> memref<120x128xf32, #tpu.memory_space<vmem>>
      %dma_start3A_41 = arith.constant 0 : i32
      %dma_start3A_42 = tpu.memref_slice %arg13[%multiple_of3A_38, %dma_start3A_41] : memref<10112x128xf32, #tpu.memory_space<vmem_shared>> -> memref<120x128xf32, #tpu.memory_space<vmem_shared>>
      %dma_start3A_43 = arith.constant 0 : i32
      %dma_start3A_44 = arith.constant 0 : i32
      %dma_start3A_45 = tpu.memref_slice %arg11[%dma_start3A_43, %dma_start3A_44] : memref<128x128xf32, #tpu.memory_space<vmem>> -> memref<120x128xf32, #tpu.memory_space<vmem>>
      %dma_start3A_46 = arith.constant 0 : i32
      %dma_start3A_47 = tpu.memref_slice %arg13[%multiple_of3A_38, %dma_start3A_46] : memref<10112x128xf32, #tpu.memory_space<vmem_shared>> -> memref<120x128xf32, #tpu.memory_space<vmem_shared>>
      tpu.enqueue_dma source(%dma_start3A_47 : memref<120x128xf32, #tpu.memory_space<vmem_shared>>) target(%dma_start3A_45 : memref<120x128xf32, #tpu.memory_space<vmem>>) target_semaphore(%run_scoped3A : memref<!tpu.dma_semaphore, #tpu.memory_space<semaphore_mem>>)
      %dma_wait3A = arith.constant 0 : i32
      %dma_wait3A_48 = arith.constant 0 : i32
      %dma_wait3A_49 = tpu.memref_slice %arg11[%dma_wait3A, %dma_wait3A_48] : memref<128x128xf32, #tpu.memory_space<vmem>> -> memref<120x128xf32, #tpu.memory_space<vmem>>
      %dma_wait3A_50 = arith.constant 0 : i32
      %dma_wait3A_51 = tpu.memref_slice %arg13[%multiple_of3A_38, %dma_wait3A_50] : memref<10112x128xf32, #tpu.memory_space<vmem_shared>> -> memref<120x128xf32, #tpu.memory_space<vmem_shared>>
      %dma_wait3A_52 = arith.constant 0 : i32
      %dma_wait3A_53 = arith.constant 0 : i32
      %dma_wait3A_54 = tpu.memref_slice %arg11[%dma_wait3A_52, %dma_wait3A_53] : memref<128x128xf32, #tpu.memory_space<vmem>> -> memref<120x128xf32, #tpu.memory_space<vmem>>
      %dma_wait3A_55 = arith.constant 0 : i32
      %dma_wait3A_56 = tpu.memref_slice %arg13[%multiple_of3A_38, %dma_wait3A_55] : memref<10112x128xf32, #tpu.memory_space<vmem_shared>> -> memref<120x128xf32, #tpu.memory_space<vmem_shared>>
      tpu.wait_dma2 semaphore(%run_scoped3A : memref<!tpu.dma_semaphore, #tpu.memory_space<semaphore_mem>>) src(%dma_wait3A_56 : memref<120x128xf32, #tpu.memory_space<vmem_shared>>) dst(%dma_wait3A_54 : memref<120x128xf32, #tpu.memory_space<vmem>>)
      tpu.yield
    }) : () -> ()
    "tpu.region"() ({
      %run_scoped3A = tpu.sem_alloc : memref<!tpu.dma_semaphore, #tpu.memory_space<semaphore_mem>>
      %dma_start3A = arith.constant 0 : i32
      %dma_start3A_39 = arith.constant 0 : i32
      %dma_start3A_40 = tpu.memref_slice %arg11[%dma_start3A, %dma_start3A_39] : memref<128x128xf32, #tpu.memory_space<vmem>> -> memref<120x128xf32, #tpu.memory_space<vmem>>
      %dma_start3A_41 = arith.constant 0 : i32
      %dma_start3A_42 = arith.constant 0 : i32
      %dma_start3A_43 = tpu.memref_slice %arg7[%arg0, %dma_start3A_41, %dma_start3A_42] : memref<2x10112x128xf32, #tpu.memory_space<hbm>> -> memref<1x10112x128xf32, #tpu.memory_space<hbm>>
      %dma_start3A_44 = tpu.memref_squeeze %dma_start3A_43 : memref<1x10112x128xf32, #tpu.memory_space<hbm>> -> memref<10112x128xf32, #tpu.memory_space<hbm>>
      %dma_start3A_45 = arith.constant 0 : i32
      %dma_start3A_46 = tpu.memref_slice %dma_start3A_44[%multiple_of3A_38, %dma_start3A_45] : memref<10112x128xf32, #tpu.memory_space<hbm>> -> memref<120x128xf32, #tpu.memory_space<hbm>>
      %dma_start3A_47 = arith.constant 0 : i32
      %dma_start3A_48 = arith.constant 0 : i32
      %dma_start3A_49 = tpu.memref_slice %arg7[%arg0, %dma_start3A_47, %dma_start3A_48] : memref<2x10112x128xf32, #tpu.memory_space<hbm>> -> memref<1x10112x128xf32, #tpu.memory_space<hbm>>
      %dma_start3A_50 = tpu.memref_squeeze %dma_start3A_49 : memref<1x10112x128xf32, #tpu.memory_space<hbm>> -> memref<10112x128xf32, #tpu.memory_space<hbm>>
      %dma_start3A_51 = arith.constant 0 : i32
      %dma_start3A_52 = tpu.memref_slice %dma_start3A_50[%multiple_of3A_38, %dma_start3A_51] : memref<10112x128xf32, #tpu.memory_space<hbm>> -> memref<120x128xf32, #tpu.memory_space<hbm>>
      %dma_start3A_53 = arith.constant 0 : i32
      %dma_start3A_54 = arith.constant 0 : i32
      %dma_start3A_55 = tpu.memref_slice %arg11[%dma_start3A_53, %dma_start3A_54] : memref<128x128xf32, #tpu.memory_space<vmem>> -> memref<120x128xf32, #tpu.memory_space<vmem>>
      tpu.enqueue_dma source(%dma_start3A_55 : memref<120x128xf32, #tpu.memory_space<vmem>>) target(%dma_start3A_52 : memref<120x128xf32, #tpu.memory_space<hbm>>) target_semaphore(%run_scoped3A : memref<!tpu.dma_semaphore, #tpu.memory_space<semaphore_mem>>)
      %dma_wait3A = arith.constant 0 : i32
      %dma_wait3A_56 = arith.constant 0 : i32
      %dma_wait3A_57 = tpu.memref_slice %arg11[%dma_wait3A, %dma_wait3A_56] : memref<128x128xf32, #tpu.memory_space<vmem>> -> memref<120x128xf32, #tpu.memory_space<vmem>>
      %dma_wait3A_58 = arith.constant 0 : i32
      %dma_wait3A_59 = arith.constant 0 : i32
      %dma_wait3A_60 = tpu.memref_slice %arg7[%arg0, %dma_wait3A_58, %dma_wait3A_59] : memref<2x10112x128xf32, #tpu.memory_space<hbm>> -> memref<1x10112x128xf32, #tpu.memory_space<hbm>>
      %dma_wait3A_61 = tpu.memref_squeeze %dma_wait3A_60 : memref<1x10112x128xf32, #tpu.memory_space<hbm>> -> memref<10112x128xf32, #tpu.memory_space<hbm>>
      %dma_wait3A_62 = arith.constant 0 : i32
      %dma_wait3A_63 = tpu.memref_slice %dma_wait3A_61[%multiple_of3A_38, %dma_wait3A_62] : memref<10112x128xf32, #tpu.memory_space<hbm>> -> memref<120x128xf32, #tpu.memory_space<hbm>>
      %dma_wait3A_64 = arith.constant 0 : i32
      %dma_wait3A_65 = arith.constant 0 : i32
      %dma_wait3A_66 = tpu.memref_slice %arg7[%arg0, %dma_wait3A_64, %dma_wait3A_65] : memref<2x10112x128xf32, #tpu.memory_space<hbm>> -> memref<1x10112x128xf32, #tpu.memory_space<hbm>>
      %dma_wait3A_67 = tpu.memref_squeeze %dma_wait3A_66 : memref<1x10112x128xf32, #tpu.memory_space<hbm>> -> memref<10112x128xf32, #tpu.memory_space<hbm>>
      %dma_wait3A_68 = arith.constant 0 : i32
      %dma_wait3A_69 = tpu.memref_slice %dma_wait3A_67[%multiple_of3A_38, %dma_wait3A_68] : memref<10112x128xf32, #tpu.memory_space<hbm>> -> memref<120x128xf32, #tpu.memory_space<hbm>>
      %dma_wait3A_70 = arith.constant 0 : i32
      %dma_wait3A_71 = arith.constant 0 : i32
      %dma_wait3A_72 = tpu.memref_slice %arg11[%dma_wait3A_70, %dma_wait3A_71] : memref<128x128xf32, #tpu.memory_space<vmem>> -> memref<120x128xf32, #tpu.memory_space<vmem>>
      tpu.wait_dma2 semaphore(%run_scoped3A : memref<!tpu.dma_semaphore, #tpu.memory_space<semaphore_mem>>) src(%dma_wait3A_72 : memref<120x128xf32, #tpu.memory_space<vmem>>) dst(%dma_wait3A_69 : memref<120x128xf32, #tpu.memory_space<hbm>>)
      tpu.yield
    }) : () -> ()
    "tpu.region"() ({
      %run_scoped3A = tpu.sem_alloc : memref<!tpu.dma_semaphore, #tpu.memory_space<semaphore_mem>>
      %dma_start3A = arith.constant 0 : i32
      %dma_start3A_39 = tpu.memref_slice %arg8[%add3A, %dma_start3A] : memref<32x10112xf32, #tpu.memory_space<hbm>> -> memref<1x10112xf32, #tpu.memory_space<hbm>>
      %dma_start3A_40 = tpu.memref_squeeze %dma_start3A_39 : memref<1x10112xf32, #tpu.memory_space<hbm>> -> memref<10112xf32, #tpu.memory_space<hbm>>
      %dma_start3A_41 = arith.constant 0 : i32
      %dma_start3A_42 = tpu.memref_slice %arg8[%add3A, %dma_start3A_41] : memref<32x10112xf32, #tpu.memory_space<hbm>> -> memref<1x10112xf32, #tpu.memory_space<hbm>>
      %dma_start3A_43 = tpu.memref_squeeze %dma_start3A_42 : memref<1x10112xf32, #tpu.memory_space<hbm>> -> memref<10112xf32, #tpu.memory_space<hbm>>
      tpu.enqueue_dma source(%arg12 : memref<10112xf32, #tpu.memory_space<vmem>>) target(%dma_start3A_43 : memref<10112xf32, #tpu.memory_space<hbm>>) target_semaphore(%run_scoped3A : memref<!tpu.dma_semaphore, #tpu.memory_space<semaphore_mem>>)
      %dma_wait3A = arith.constant 0 : i32
      %dma_wait3A_44 = tpu.memref_slice %arg8[%add3A, %dma_wait3A] : memref<32x10112xf32, #tpu.memory_space<hbm>> -> memref<1x10112xf32, #tpu.memory_space<hbm>>
      %dma_wait3A_45 = tpu.memref_squeeze %dma_wait3A_44 : memref<1x10112xf32, #tpu.memory_space<hbm>> -> memref<10112xf32, #tpu.memory_space<hbm>>
      %dma_wait3A_46 = arith.constant 0 : i32
      %dma_wait3A_47 = tpu.memref_slice %arg8[%add3A, %dma_wait3A_46] : memref<32x10112xf32, #tpu.memory_space<hbm>> -> memref<1x10112xf32, #tpu.memory_space<hbm>>
      %dma_wait3A_48 = tpu.memref_squeeze %dma_wait3A_47 : memref<1x10112xf32, #tpu.memory_space<hbm>> -> memref<10112xf32, #tpu.memory_space<hbm>>
      tpu.wait_dma2 semaphore(%run_scoped3A : memref<!tpu.dma_semaphore, #tpu.memory_space<semaphore_mem>>) src(%arg12 : memref<10112xf32, #tpu.memory_space<vmem>>) dst(%dma_wait3A_48 : memref<10112xf32, #tpu.memory_space<hbm>>)
      tpu.yield
    }) : () -> ()
    return
  }
}

module attributes {stable_mosaic.version = 14 : i64} {
  func.func @_tc1_body(%arg0: i32, %arg1: memref<2x400x128xf32, #tpu.memory_space<vmem>>, %arg2: memref<400x1xf32, #tpu.memory_space<vmem>>, %arg3: memref<400x128xf32, #tpu.memory_space<vmem>>, %arg4: memref<128x128xf32, #tpu.memory_space<vmem>>, %arg5: memref<1x128xf32, #tpu.memory_space<vmem>>, %arg6: memref<128x128xf32, #tpu.memory_space<vmem>>, %arg7: memref<400x128xf32, #tpu.memory_space<vmem>>) attributes {dimension_semantics = [#tpu.dimension_semantics<arbitrary>], iteration_bounds = array<i64: 25>, scalar_prefetch = 0 : i64, scratch_operands = 0 : i64, tpu.core_type = #tpu.core_type<tc>, window_params = [{transform_indices = @transform_0, window_bounds = array<i64: 2, 400, 128>}, {transform_indices = @transform_1, window_bounds = array<i64: 400, 1>}, {transform_indices = @transform_2, window_bounds = array<i64: 400, 128>}, {pipeline_mode = #tpu.pipeline_mode<synchronous>, transform_indices = @transform_3, window_bounds = array<i64: 128, 128>}, {pipeline_mode = #tpu.pipeline_mode<synchronous>, transform_indices = @transform_4, window_bounds = array<i64: 1, 128>}, {pipeline_mode = #tpu.pipeline_mode<synchronous>, transform_indices = @transform_5, window_bounds = array<i64: 128, 128>}, {transform_indices = @transform_6, window_bounds = array<i64: 400, 128>}]} {
    %get3A = arith.constant 0 : index
    %get3A_0 = arith.constant 0 : index
    %get3A_1 = vector.load %arg3[%get3A, %get3A_0] : memref<400x128xf32, #tpu.memory_space<vmem>>, vector<400x128xf32>
    %get3A_2 = arith.constant 0 : index
    %get3A_3 = arith.constant 0 : index
    %get3A_4 = arith.constant 0 : index
    %get3A_5 = vector.load %arg1[%get3A_2, %get3A_3, %get3A_4] : memref<2x400x128xf32, #tpu.memory_space<vmem>>, vector<1x400x128xf32>
    %get3A_6 = vector.shape_cast %get3A_5 : vector<1x400x128xf32> to vector<400x128xf32>
    %get3A_7 = arith.constant 1 : index
    %get3A_8 = arith.constant 0 : index
    %get3A_9 = arith.constant 0 : index
    %get3A_10 = vector.load %arg1[%get3A_7, %get3A_8, %get3A_9] : memref<2x400x128xf32, #tpu.memory_space<vmem>>, vector<1x400x128xf32>
    %get3A_11 = vector.shape_cast %get3A_10 : vector<1x400x128xf32> to vector<400x128xf32>
    %add3A = arith.addf %get3A_6, %get3A_11 : vector<400x128xf32>
    %get3A_12 = arith.constant 0 : index
    %get3A_13 = arith.constant 0 : index
    %get3A_14 = vector.load %arg2[%get3A_12, %get3A_13] : memref<400x1xf32, #tpu.memory_space<vmem>>, vector<400x1xf32>
    %mul3A = vector.broadcast %get3A_14 : vector<400x1xf32> to vector<400x128xf32>
    %mul3A_15 = arith.mulf %add3A, %mul3A : vector<400x128xf32>
    %get3A_16 = arith.constant 0 : index
    %get3A_17 = arith.constant 0 : index
    %get3A_18 = vector.load %arg4[%get3A_16, %get3A_17] : memref<128x128xf32, #tpu.memory_space<vmem>>, vector<128x128xf32>
    %dot_general3A = arith.constant dense<0.000000e+00> : vector<400x128xf32>
    %dot_general3A_19 = tpu.matmul %mul3A_15, %get3A_18, %dot_general3A {dimension_numbers = #tpu.dot_dimension_numbers<[1], [0], [0], [1], [0, 0, 1, 1], [], []>, transpose_lhs_hint = false} : vector<400x128xf32>, vector<128x128xf32>, vector<400x128xf32> -> vector<400x128xf32>
    %get3A_20 = arith.constant 0 : index
    %get3A_21 = arith.constant 0 : index
    %get3A_22 = vector.load %arg5[%get3A_20, %get3A_21] : memref<1x128xf32, #tpu.memory_space<vmem>>, vector<1x128xf32>
    %add3A_23 = vector.broadcast %get3A_22 : vector<1x128xf32> to vector<400x128xf32>
    %add3A_24 = arith.addf %dot_general3A_19, %add3A_23 : vector<400x128xf32>
    %get3A_25 = arith.constant 0 : index
    %get3A_26 = arith.constant 0 : index
    %get3A_27 = vector.load %arg6[%get3A_25, %get3A_26] : memref<128x128xf32, #tpu.memory_space<vmem>>, vector<128x128xf32>
    %dot_general3A_28 = arith.constant dense<0.000000e+00> : vector<400x128xf32>
    %dot_general3A_29 = tpu.matmul %get3A_1, %get3A_27, %dot_general3A_28 {dimension_numbers = #tpu.dot_dimension_numbers<[1], [0], [0], [1], [0, 0, 1, 1], [], []>, transpose_lhs_hint = false} : vector<400x128xf32>, vector<128x128xf32>, vector<400x128xf32> -> vector<400x128xf32>
    %add3A_30 = arith.addf %add3A_24, %dot_general3A_29 : vector<400x128xf32>
    %max3A = arith.constant 0.000000e+00 : f32
    %max3A_31 = vector.broadcast %max3A : f32 to vector<400x128xf32>
    %max3A_32 = arith.maximumf %add3A_30, %max3A_31 : vector<400x128xf32>
    %swap3A = arith.constant 0 : index
    %swap3A_33 = arith.constant 0 : index
    %swap3A_34 = vector.load %arg7[%swap3A, %swap3A_33] : memref<400x128xf32, #tpu.memory_space<vmem>>, vector<400x128xf32>
    tpu.vector_store %arg7[%swap3A, %swap3A_33], %max3A_32 {strides = array<i32>} : memref<400x128xf32, #tpu.memory_space<vmem>>, vector<400x128xf32>,
    return
  }
  func.func @transform_0(%arg0: i32) -> (i32, i32, i32) {
    %c0_i32 = arith.constant 0 : i32
    %c0_i32_0 = arith.constant 0 : i32
    %c0_i32_1 = arith.constant 0 : i32
    return %c0_i32, %arg0, %c0_i32_0 : i32, i32, i32
  }
  func.func @transform_1(%arg0: i32) -> (i32, i32) {
    %c0_i32 = arith.constant 0 : i32
    %c0_i32_0 = arith.constant 0 : i32
    return %arg0, %c0_i32 : i32, i32
  }
  func.func @transform_2(%arg0: i32) -> (i32, i32) {
    %c0_i32 = arith.constant 0 : i32
    %c0_i32_0 = arith.constant 0 : i32
    return %arg0, %c0_i32 : i32, i32
  }
  func.func @transform_3(%arg0: i32) -> (i32, i32) {
    %c0_i32 = arith.constant 0 : i32
    %c0_i32_0 = arith.constant 0 : i32
    %c0_i32_1 = arith.constant 0 : i32
    return %c0_i32, %c0_i32_0 : i32, i32
  }
  func.func @transform_4(%arg0: i32) -> (i32, i32) {
    %c0_i32 = arith.constant 0 : i32
    %c0_i32_0 = arith.constant 0 : i32
    %c0_i32_1 = arith.constant 0 : i32
    return %c0_i32, %c0_i32_0 : i32, i32
  }
  func.func @transform_5(%arg0: i32) -> (i32, i32) {
    %c0_i32 = arith.constant 0 : i32
    %c0_i32_0 = arith.constant 0 : i32
    %c0_i32_1 = arith.constant 0 : i32
    return %c0_i32, %c0_i32_0 : i32, i32
  }
  func.func @transform_6(%arg0: i32) -> (i32, i32) {
    %c0_i32 = arith.constant 0 : i32
    %c0_i32_0 = arith.constant 0 : i32
    return %arg0, %c0_i32 : i32, i32
  }
}

module attributes {stable_mosaic.version = 14 : i64} {
  func.func @_tc2_body(%arg0: i32, %arg1: memref<2x400x128xf32, #tpu.memory_space<vmem>>, %arg2: memref<400x1xf32, #tpu.memory_space<vmem>>, %arg3: memref<400x128xf32, #tpu.memory_space<vmem>>, %arg4: memref<128x128xf32, #tpu.memory_space<vmem>>, %arg5: memref<1x128xf32, #tpu.memory_space<vmem>>, %arg6: memref<128x128xf32, #tpu.memory_space<vmem>>, %arg7: memref<400x128xf32, #tpu.memory_space<vmem>>) attributes {dimension_semantics = [#tpu.dimension_semantics<arbitrary>], iteration_bounds = array<i64: 25>, scalar_prefetch = 0 : i64, scratch_operands = 0 : i64, tpu.core_type = #tpu.core_type<tc>, window_params = [{transform_indices = @transform_0, window_bounds = array<i64: 2, 400, 128>}, {transform_indices = @transform_1, window_bounds = array<i64: 400, 1>}, {transform_indices = @transform_2, window_bounds = array<i64: 400, 128>}, {pipeline_mode = #tpu.pipeline_mode<synchronous>, transform_indices = @transform_3, window_bounds = array<i64: 128, 128>}, {pipeline_mode = #tpu.pipeline_mode<synchronous>, transform_indices = @transform_4, window_bounds = array<i64: 1, 128>}, {pipeline_mode = #tpu.pipeline_mode<synchronous>, transform_indices = @transform_5, window_bounds = array<i64: 128, 128>}, {transform_indices = @transform_6, window_bounds = array<i64: 400, 128>}]} {
    %get3A = arith.constant 0 : index
    %get3A_0 = arith.constant 0 : index
    %get3A_1 = vector.load %arg3[%get3A, %get3A_0] : memref<400x128xf32, #tpu.memory_space<vmem>>, vector<400x128xf32>
    %get3A_2 = arith.constant 0 : index
    %get3A_3 = arith.constant 0 : index
    %get3A_4 = arith.constant 0 : index
    %get3A_5 = vector.load %arg1[%get3A_2, %get3A_3, %get3A_4] : memref<2x400x128xf32, #tpu.memory_space<vmem>>, vector<1x400x128xf32>
    %get3A_6 = vector.shape_cast %get3A_5 : vector<1x400x128xf32> to vector<400x128xf32>
    %get3A_7 = arith.constant 1 : index
    %get3A_8 = arith.constant 0 : index
    %get3A_9 = arith.constant 0 : index
    %get3A_10 = vector.load %arg1[%get3A_7, %get3A_8, %get3A_9] : memref<2x400x128xf32, #tpu.memory_space<vmem>>, vector<1x400x128xf32>
    %get3A_11 = vector.shape_cast %get3A_10 : vector<1x400x128xf32> to vector<400x128xf32>
    %add3A = arith.addf %get3A_6, %get3A_11 : vector<400x128xf32>
    %get3A_12 = arith.constant 0 : index
    %get3A_13 = arith.constant 0 : index
    %get3A_14 = vector.load %arg2[%get3A_12, %get3A_13] : memref<400x1xf32, #tpu.memory_space<vmem>>, vector<400x1xf32>
    %mul3A = vector.broadcast %get3A_14 : vector<400x1xf32> to vector<400x128xf32>
    %mul3A_15 = arith.mulf %add3A, %mul3A : vector<400x128xf32>
    %get3A_16 = arith.constant 0 : index
    %get3A_17 = arith.constant 0 : index
    %get3A_18 = vector.load %arg4[%get3A_16, %get3A_17] : memref<128x128xf32, #tpu.memory_space<vmem>>, vector<128x128xf32>
    %dot_general3A = arith.constant dense<0.000000e+00> : vector<400x128xf32>
    %dot_general3A_19 = tpu.matmul %mul3A_15, %get3A_18, %dot_general3A {dimension_numbers = #tpu.dot_dimension_numbers<[1], [0], [0], [1], [0, 0, 1, 1], [], []>, transpose_lhs_hint = false} : vector<400x128xf32>, vector<128x128xf32>, vector<400x128xf32> -> vector<400x128xf32>
    %get3A_20 = arith.constant 0 : index
    %get3A_21 = arith.constant 0 : index
    %get3A_22 = vector.load %arg5[%get3A_20, %get3A_21] : memref<1x128xf32, #tpu.memory_space<vmem>>, vector<1x128xf32>
    %add3A_23 = vector.broadcast %get3A_22 : vector<1x128xf32> to vector<400x128xf32>
    %add3A_24 = arith.addf %dot_general3A_19, %add3A_23 : vector<400x128xf32>
    %get3A_25 = arith.constant 0 : index
    %get3A_26 = arith.constant 0 : index
    %get3A_27 = vector.load %arg6[%get3A_25, %get3A_26] : memref<128x128xf32, #tpu.memory_space<vmem>>, vector<128x128xf32>
    %dot_general3A_28 = arith.constant dense<0.000000e+00> : vector<400x128xf32>
    %dot_general3A_29 = tpu.matmul %get3A_1, %get3A_27, %dot_general3A_28 {dimension_numbers = #tpu.dot_dimension_numbers<[1], [0], [0], [1], [0, 0, 1, 1], [], []>, transpose_lhs_hint = false} : vector<400x128xf32>, vector<128x128xf32>, vector<400x128xf32> -> vector<400x128xf32>
    %add3A_30 = arith.addf %add3A_24, %dot_general3A_29 : vector<400x128xf32>
    %reduce_max3A = arith.constant dense<0xFF800000> : vector<400xf32>
    %reduce_max3A_31 = vector.multi_reduction <maximumf>, %add3A_30, %reduce_max3A [1] : vector<400x128xf32> to vector<400xf32>
    %broadcast_in_dim3A = vector.shape_cast %reduce_max3A_31 : vector<400xf32> to vector<400x1xf32>
    %sub3A = vector.broadcast %broadcast_in_dim3A : vector<400x1xf32> to vector<400x128xf32>
    %sub3A_32 = arith.subf %add3A_30, %sub3A : vector<400x128xf32>
    %exp3A = math.exp %sub3A_32 : vector<400x128xf32>
    %reduce_sum3A = arith.constant dense<0.000000e+00> : vector<400xf32>
    %reduce_sum3A_33 = vector.multi_reduction <add>, %exp3A, %reduce_sum3A [1] : vector<400x128xf32> to vector<400xf32>
    %broadcast_in_dim3A_34 = vector.shape_cast %reduce_sum3A_33 : vector<400xf32> to vector<400x1xf32>
    %log3A = math.log %broadcast_in_dim3A_34 : vector<400x1xf32>
    %add3A_35 = arith.addf %log3A, %broadcast_in_dim3A : vector<400x1xf32>
    %sub3A_36 = vector.broadcast %add3A_35 : vector<400x1xf32> to vector<400x128xf32>
    %sub3A_37 = arith.subf %add3A_30, %sub3A_36 : vector<400x128xf32>
    %swap3A = arith.constant 0 : index
    %swap3A_38 = arith.constant 0 : index
    %swap3A_39 = vector.load %arg7[%swap3A, %swap3A_38] : memref<400x128xf32, #tpu.memory_space<vmem>>, vector<400x128xf32>
    tpu.vector_store %arg7[%swap3A, %swap3A_38], %sub3A_37 {strides = array<i32>} : memref<400x128xf32, #tpu.memory_space<vmem>>, vector<400x128xf32>,
    return
  }
  func.func @transform_0(%arg0: i32) -> (i32, i32, i32) {
    %c0_i32 = arith.constant 0 : i32
    %c0_i32_0 = arith.constant 0 : i32
    %c0_i32_1 = arith.constant 0 : i32
    return %c0_i32, %arg0, %c0_i32_0 : i32, i32, i32
  }
  func.func @transform_1(%arg0: i32) -> (i32, i32) {
    %c0_i32 = arith.constant 0 : i32
    %c0_i32_0 = arith.constant 0 : i32
    return %arg0, %c0_i32 : i32, i32
  }
  func.func @transform_2(%arg0: i32) -> (i32, i32) {
    %c0_i32 = arith.constant 0 : i32
    %c0_i32_0 = arith.constant 0 : i32
    return %arg0, %c0_i32 : i32, i32
  }
  func.func @transform_3(%arg0: i32) -> (i32, i32) {
    %c0_i32 = arith.constant 0 : i32
    %c0_i32_0 = arith.constant 0 : i32
    %c0_i32_1 = arith.constant 0 : i32
    return %c0_i32, %c0_i32_0 : i32, i32
  }
  func.func @transform_4(%arg0: i32) -> (i32, i32) {
    %c0_i32 = arith.constant 0 : i32
    %c0_i32_0 = arith.constant 0 : i32
    %c0_i32_1 = arith.constant 0 : i32
    return %c0_i32, %c0_i32_0 : i32, i32
  }
  func.func @transform_5(%arg0: i32) -> (i32, i32) {
    %c0_i32 = arith.constant 0 : i32
    %c0_i32_0 = arith.constant 0 : i32
    %c0_i32_1 = arith.constant 0 : i32
    return %c0_i32, %c0_i32_0 : i32, i32
  }
  func.func @transform_6(%arg0: i32) -> (i32, i32) {
    %c0_i32 = arith.constant 0 : i32
    %c0_i32_0 = arith.constant 0 : i32
    return %arg0, %c0_i32 : i32, i32
  }
}

</mosaic_0001>

<sc_bundles>
// kernel: kernel.6.cloned.1.call-start
scs
__scs_entry_jumppad:
0x0: {  	(pc) =	sbr.rel $0x88, $3  }
0x1: {  	(tag) =	ssettag $0x0;
	lr =	simm.s32 $0x1  }
0x2: {  	[smem:$0x3F99] =	sst lr;
	_ =	strace $0xD0000000  }
0x3: {  	_ = 	snop  }
0x4: {  	_ = 	snop  }
0x5: {  	_ = 	snop  }
0x6: {  	_ = 	snop  }
0x7: {  	_ = 	snop  }
__scs_overlays_trampoline_lowered:
0x8: {  	[smem:$0x3FA8] =	sst s0  }
0x9: {  	[smem:$0x3FA9] =	sst s1  }
0xa: {  	[smem:$0x3FAA] =	sst s2  }
0xb: {  	[smem:$0x3FAB] =	sst s3  }
0xc: {  	[smem:$0x3FAC] =	sst s4  }
0xd: {  	[smem:$0x3FAD] =	sst s5  }
0xe: {  	[smem:$0x3FAE] =	sst s6  }
0xf: {  	[smem:$0x3FAF] =	sst s7  }
0x10: {  	[smem:$0x3FB0] =	sst s8  }
0x11: {  	[smem:$0x3FB1] =	sst s9;
	s0 =	simm.s32 @!p0 $0x0  }
0x12: {  	s1 =	sld [smem:$0x3F97];
	s0 =	simm.s32 @p0 $0x1  }
0x13: {  	[smem:$0x3FB2] =	sst s0;
	s0 =	simm.s32 @!p1 $0x0  }
0x14: {  	s2 =	sld [smem:$0x3F96];
	s0 =	simm.s32 @p1 $0x1  }
0x15: {  	[smem:$0x3FB3] =	sst s0;
	s0 =	simm.s32 @!p2 $0x0  }
0x16: {  	s3 =	sld [smem:$0x3FDB];
	s0 =	simm.s32 @p2 $0x1  }
0x17: {  	s4 =	simm.s32 $0x1BF5;
	[smem:$0x3FB5] =	sst s0  }
0x18: {  	s0 =	sld [smem:$0x3F98];
	_ =	swait.ge [sflag:s4], $0x0  }
0x19: {  	s7 =	sld [smem:$0x3F99]  }
0x1a: {  	s8 =	sadd.s32 $0xFFFFE003, lr  }
0x1b: {  	s9 =	sadd.s32 $0xFFFFFEF7, lr;
	s5 =	simm.s32 $0xFFFFFFFF;
	p2 =	slt.u32 s8, $0xFFFFF086  }
0x1c: {  	p1 =	slt.u32 s9, $0xF7A;
	s5 =	simm.s32 @!p2 $0x0  }
0x1d: {  	s5 =	simm.s32 @p1 $0x1;
	p0 =	seq.s32 s7, s2  }
0x1e: {  	s7 =	smul.u32 @!p0 $0xF7A, s2;
	p2 =	seq.s32 @!p0 s5, $0x0  }
0x1f: {  	s9 =	smul.u32 $0xF7A, s1;
	s8 =	simm.s32 @!p0 $0x1BF5;
	p2 =	por !p2, p0  }
0x20: {  	[sflag:s8] =	ssyncset.s32 @!p0 $0xFFFFF086;
	s6 =	sadd.s32 @!p0 s3, s7;
	s7 =	simm.s32 @!p0 $0x108  }
0x21: {  	s3 =	sadd.s32 s3, s9;
	s6 =	sadd.s32 @!p0 $0x88, s6;
	s7 =	simm.s32 @p2 $0x1082  }
0x22: {  	[simem:s7], [sflag:s8] =	dma.local @!p0 [hbm:s6], $0xF7A  }
0x23: {  	s9 =	sor.u32 $0xD0000000, s2;
	s6 =	simm.s32 $0x108;
	_ =	swait.ge @!p0 [sflag:s8], $0x0  }
0x24: {  	s3 =	sadd.s32 $0x88, s3;
	s6 =	simm.s32 @!p1 $0x1082;
	[sflag:s4] =	ssyncset.s32 $0xFFFFF086  }
0x25: {  	[simem:s6], [sflag:s4] =	dma.local [hbm:s3], $0xF7A  }
0x26: {  	[smem:$0x3F99] =	sst s1;
	(tag) =	ssettag s2;
	_ =	strace s9  }
0x27: {  	s1 =	sld [smem:$0x3FA9]  }
0x28: {  	s2 =	sld [smem:$0x3FAA]  }
0x29: {  	s4 =	sld [smem:$0x3FAC]  }
0x2a: {  	p0 =	seq.s32 s5, $0x0;
	s5 =	sld [smem:$0x3FAD]  }
0x2b: {  	s6 =	sld [smem:$0x3FAE]  }
0x2c: {  	s7 =	sld [smem:$0x3FAF]  }
0x2d: {  	s3 =	simm.s32 $0x108;
	s8 =	sld [smem:$0x3FB0]  }
0x2e: {  	s3 =	simm.s32 @!p0 $0x1082;
	s9 =	sld [smem:$0x3FB1]  }
0x2f: {  	lr =	sadd.s32 s0, s3;
	s0 =	sld [smem:$0x3FA8]  }
0x30: {  	s3 =	sld [smem:$0x3FAB]  }
0x31: {  	[smem:$0x3FB4] =	sst s10  }
0x32: {  	s10 =	sld [smem:$0x3FB2];
	_ =	sdelay $0x3  }
0x33: {  	p0 =	seq.s32 s10, $0x1;
	s10 =	sld [smem:$0x3FB4];
	_ =	sdelay $0x3  }
0x34: {  	[smem:$0x3FB4] =	sst s10  }
0x35: {  	s10 =	sld [smem:$0x3FB3];
	_ =	sdelay $0x3  }
0x36: {  	p1 =	seq.s32 s10, $0x1;
	s10 =	sld [smem:$0x3FB4];
	_ =	sdelay $0x3  }
0x37: {  	[smem:$0x3FB4] =	sst s10  }
0x38: {  	s10 =	sld [smem:$0x3FB5]  }
0x39: {  	_ = 	snop;
	(pc) =	sbr.ind lr, $3  }
0x3a: {  	_ = 	snop  }
0x3b: {  	_ = 	snop  }
0x3c: {  	p2 =	seq.s32 s10, $0x1;
	s10 =	sld [smem:$0x3FB4]  }
0x3d: {  	_ =	shalt  }
0x3e: {  	_ =	shalt  }
0x3f: {  	_ =	shalt  }
0x40: {  	_ =	shalt  }
0x41: {  	_ =	shalt  }
0x42: {  	_ =	shalt  }
0x43: {  	_ =	shalt  }
0x44: {  	_ =	shalt  }
0x45: {  	_ =	shalt  }
0x46: {  	_ =	shalt  }
0x47: {  	_ =	shalt  }
0x48: {  	_ =	shalt  }
0x49: {  	_ =	shalt  }
0x4a: {  	_ =	shalt  }
0x4b: {  	_ =	shalt  }
0x4c: {  	_ =	shalt  }
0x4d: {  	_ =	shalt  }
0x4e: {  	_ =	shalt  }
0x4f: {  	_ =	shalt  }
0x50: {  	_ =	shalt  }
0x51: {  	_ =	shalt  }
0x52: {  	_ =	shalt  }
0x53: {  	_ =	shalt  }
0x54: {  	_ =	shalt  }
0x55: {  	_ =	shalt  }
0x56: {  	_ =	shalt  }
0x57: {  	_ =	shalt  }
0x58: {  	_ =	shalt  }
0x59: {  	_ =	shalt  }
0x5a: {  	_ =	shalt  }
0x5b: {  	_ =	shalt  }
0x5c: {  	_ =	shalt  }
0x5d: {  	_ =	shalt  }
0x5e: {  	_ =	shalt  }
0x5f: {  	_ =	shalt  }
0x60: {  	_ =	shalt  }
0x61: {  	_ =	shalt  }
0x62: {  	_ =	shalt  }
0x63: {  	_ =	shalt  }
0x64: {  	_ =	shalt  }
0x65: {  	_ =	shalt  }
0x66: {  	_ =	shalt  }
0x67: {  	_ =	shalt  }
0x68: {  	_ =	shalt  }
0x69: {  	_ =	shalt  }
0x6a: {  	_ =	shalt  }
0x6b: {  	_ =	shalt  }
0x6c: {  	_ =	shalt  }
0x6d: {  	_ =	shalt  }
0x6e: {  	_ =	shalt  }
0x6f: {  	_ =	shalt  }
0x70: {  	_ =	shalt  }
0x71: {  	_ =	shalt  }
0x72: {  	_ =	shalt  }
0x73: {  	_ =	shalt  }
0x74: {  	_ =	shalt  }
0x75: {  	_ =	shalt  }
0x76: {  	_ =	shalt  }
0x77: {  	_ =	shalt  }
0x78: {  	_ =	shalt  }
0x79: {  	_ =	shalt  }
0x7a: {  	_ =	shalt  }
0x7b: {  	_ =	shalt  }
0x7c: {  	_ =	shalt  }
0x7d: {  	_ =	shalt  }
0x7e: {  	_ =	shalt  }
0x7f: {  	_ =	shalt  }
0x80: {  	_ =	shalt  }
0x81: {  	_ =	shalt  }
0x82: {  	_ =	shalt  }
0x83: {  	_ =	shalt  }
0x84: {  	_ =	shalt  }
0x85: {  	_ =	shalt  }
0x86: {  	_ =	shalt  }
0x87: {  	_ =	shalt  }
.Lfunc_end0:
.L_simem_size_0:
called_computation_lowered:
.L_overlay_start_0:
0x88: {  	s2 =	sld [smem:$0x3FD9]  }
0x89: {  	s3 =	sld [smem:$0x3FFE];
	_ =	sdelay $0x1  }
0x8a: {  	s1 =	srdreg.scid  }
0x8b: {  	s0 =	sand.u32 $0x1, s1  }
0x8c: {  	s17 =	sshll.u32 s0, $0xA;
	s2 =	sadd.s32 s3, s2  }
0x8d: {  	s2 =	sadd.s32 s2, s17  }
0x8e: {  	[smem:$0x3FC0] =	sst s2  }
0x8f: {  	_ = 	snop  }
0x90: {  	s2 =	sld [smem:$0x3FC9]  }
0x91: {  	s18 =	sld [smem:$0x3FD0];
	(tm) =	ssettm $0x1  }
0x92: {  	s4 =	sld [smem:$0x3FFB];
	_ =	sdelay $0x3  }
0x93: {  	_ =	strace s4  }
0x94: {  	s4 =	sld [smem:$0x3FFC];
	_ =	sdelay $0x3  }
0x95: {  	_ =	strace s4  }
0x96: {  	s4 =	sld [smem:$0x3FFD];
	_ =	sdelay $0x3  }
0x97: {  	_ =	strace s4  }
0x98: {  	_ =	strace $0x8FFFFFFF  }
0x99: {  	s19 =	sld [smem:$0x3FDB];
	_ =	sdelay $0x1  }
0x9a: {  	s5 =	simm.s32 $_scs_section_size  }
0x9b: {  	s6 =	simm.s32 $_size__tile_overlayer_lowered;
	s7 =	simm.s32 $_tile_overlayer_lowered  }
0x9c: {  	s22 =	simm.s32 $0x1BFF;
	s21 =	sshll.u32 s7, $0x1;
	s4 =	sadd.s32 s5, s19  }
0x9d: {  	s8 =	simm.s32 $0x0;
	s20 =	sshll.u32 s6, $0x1;
	s6 =	sadd.s32 s21, s4  }
0x9e: {  	[timem:s8], [sflag:s22] =	dma.local [hbm:s6], s20  }
0x9f: {  	_ =	swait.ge [sflag:s22], s20  }
0xa0: {  	s5 =	ssub.s32 $0x0, s20;
	[sflag:s22] =	ssyncset.done $0x0  }
0xa1: {  	[sflag:s22] =	ssyncadd.s32 s5;
	_ =	sdelay $0x1  }
0xa2: {  	s23 =	simm.s32 $0x1B8B  }
0xa3: {  	_ =	swait.ge [sflag:s23], $0x1  }
0xa4: {  	[sflag:s23] =	ssyncset.done $0x0  }
0xa5: {  	s25 =	simm.s32 $0x1B8E;
	s24 =	sld [smem:$0x3FFE];
	[sflag:s23] =	ssyncadd.s32 $0xFFFFFFFF  }
0xa6: {  	s26 =	simm.s32 $execute0_lowered;
	[smem:$0x3FD2] =	sst s25  }
0xa7: {  	s6 =	sshll.u32 s26, $0x1;
	_ =	strace $0x80000046;
	[dreg:$0x1] =	wrdreg $0xFFFFFFFF  }
0xa8: {  	s28 =	simm.s32 $_size_execute0_lowered;
	s4 =	sadd.s32 s4, s6;
	[dreg:$0x0] =	wrdreg $0x0  }
0xa9: {  	s6 =	sshll.u32 s28, $0x1;
	[dreg:$0x2] =	wrdreg s4  }
0xaa: {  	[dreg:$0x3] =	wrdreg s6  }
0xab: {  	[dreg:$0x4] =	wrdreg $0xC0  }
0xac: {  	_ =	task [dreg:s8], $0x5FFFF  }
0xad: {  	[dreg:$0x1] =	wrdreg $0xFFFFFFFF  }
0xae: {  	[dreg:$0x0] =	wrdreg $0x60  }
0xaf: {  	[dreg:$0x2] =	wrdreg s2  }
0xb0: {  	[dreg:$0x3] =	wrdreg s24  }
0xb1: {  	[dreg:$0x4] =	wrdreg s18  }
0xb2: {  	[dreg:$0x5] =	wrdreg $0x68800  }
0xb3: {  	[dreg:$0x6] =	wrdreg $0x9  }
0xb4: {  	_ =	task.clear_ibuf [dreg:s8], $0x7FFFF;
	_ =	strace $0x90000046  }
0xb5: {  	s29 =	simm.s32 $0x9;
	_ =	strace $0x80000048  }
0xb6: {  	_ =	swait.ge [sflag:s29], $0x1  }
0xb7: {  	[sflag:s29] =	ssyncadd.s32 $0xFFFFFFFF  }
0xb8: {  	_ =	strace $0x90000048  }
0xb9: {  	_ =	sfence  }
0xba: {  	s30 =	sld [smem:$0x0];
	_ =	sdelay $0x2  }
0xbb: {  	s31 =	sshll.u32 s1, $0xD;
	s1 =	sshrl.u32 s1, $0x2  }
0xbc: {  	s3 =	sand.u32 $0x4000, s31;
	s1 =	sadd.s32 s1, s30  }
0xbd: {  	s0 =	sor.u32 s3, s0;
	s1 =	sshll.u32 s1, $0x11  }
0xbe: {  	s0 =	sor.u32 s1, s0  }
0xbf: {  	s0 =	sadd.s32 $0x8F2B, s0  }
0xc0: {  	[sflag:s0] =	ssyncadd.remote.s32 $0x1  }
0xc1: {  	_ =	sfence.sel $0xFFFF  }
0xc2: {  	[dreg:$0x0] =	wrdreg $0xFFFFFFFF;
	(pc) =	sbr.abs _section_cstart, $3  }
0xc3: {  	[dreg:$0x1] =	wrdreg $0xFFFFFFFF  }
0xc4: {  	_ =	task.clear_ibuf [dreg:s8], $0x2FFFF;
	_ =	strace $0x9FFFFFFF  }
0xc5: {  	(tm) =	ssettm $0x7FFFFFFF  }
tec
execute0_lowered:
.L_overlay_start_1:
0x0: {  	(tag) =	ssettag $0x1  }
0x1: {  	s1 =	rddreg [dreg:$0x0]  }
0x2: {  	s7 =	rddreg [dreg:$0x1]  }
0x3: {  	s12 =	rddreg [dreg:$0x2]  }
0x4: {  	s3 =	rddreg [dreg:$0x3]  }
0x5: {  	s0 =	rddreg [dreg:$0x4];
	s2 =	stileid.u32  }
0x6: {  	s5 =	srdreg.scid;
	s6 =	smul.u32 $0x9E0, s2  }
0x7: {  	s4 =	simm.s32 $0x0;
	s13 =	sand.u32 $0x1, s5;
	s9 =	smul.u32 $0x278, s2  }
0x8: {  	[smem:$0x7FF] =	sst s4;
	s5 =	sadd.s32 $0x15E00, s7;
	s10 =	smul.u32 $0x4F000, s2  }
0x9: {  	s21 =	sshrl.u32 s2, $0x2;
	s8 =	smul.u32 $0x27800, s13;
	_ =	strace $0x80000047  }
0xa: {  	s22 =	ssub.s32 $0x2, s13;
	s21 =	smul.u32 $0x13C00, s21;
	s14 =	sadd.s32 s6, s7  }
0xb: {  	s6 =	sadd.s32 $0x15800, s7;
	s23 =	sshrl.u32 s22, $0x1;
	s10 =	sshrl.u32 s10, $0x2  }
0xc: {  	s16 =	sadd.s32 $0x80, s9;
	s18 =	sadd.s32 $0x100, s9;
	s19 =	sadd.s32 $0x180, s9  }
0xd: {  	s20 =	sadd.s32 $0x200, s9;
	s15 =	sadd.s32 s8, s7;
	s17 =	ssub.s32 s22, s23  }
0xe: {  	s7 =	sadd.s32 s10, s3;
	s24 =	sshll.u32 s16, $0x7;
	s25 =	sshll.u32 s18, $0x7  }
0xf: {  	s11 =	sshll.u32 s19, $0x7;
	s26 =	sshll.u32 s20, $0x7;
	s22 =	sshll.u32 s2, $0x8  }
0x10: {  	s23 =	sshll.u32 s13, $0x7;
	s30 =	sshll.u32 s16, $0x4;
	s13 =	smul.u32 $0x4F0, s13  }
0x11: {  	s28 =	sshll.u32 s20, $0x4;
	s16 =	simm.s32 $0x100;
	s8 =	sadd.s32 s24, s3  }
0x12: {  	s9 =	sadd.s32 s25, s3;
	s10 =	sadd.s32 s11, s3;
	s11 =	sadd.s32 s26, s3  }
0x13: {  	s22 =	sor.u32 s23, s22;
	s24 =	sadd.s32 $0x16600, s15;
	s23 =	smul.u32 $0x2780, s2  }
0x14: {  	s25 =	sshll.u32 s18, $0x4;
	s26 =	sshll.u32 s19, $0x4;
	s18 =	simm.s32 $0x4100  }
0x15: {  	s19 =	simm.s32 $0x80;
	s29 =	sand.u32 $0x380, s22;
	s31 =	sadd.s32 s13, s14  }
0x16: {  	s13 =	smax.u32 s17, $0x1;
	s17 =	simm.s32 $0x2;
	s22 =	sadd.s32 s25, s24  }
0x17: {  	s25 =	simm.s32 $0x1;
	s15 =	sor.u32 s21, s29;
	s14 =	sadd.s32 $0x1C00, s31  }
0x18: {  	s20 =	sadd.s32 s23, s24;
	s21 =	sadd.s32 s30, s24;
	s23 =	sadd.s32 s26, s24  }
0x19: {  	s24 =	sadd.s32 s28, s24;
	s26 =	simm.s32 $0x400;
	s15 =	sshrl.u32 s15, $0x3  }
0x1a: {  	v0 =	vimm.f32 $1.000000000e+00;
	s28 =	simm.s32 $0x0;
	s12 =	sadd.s32 s12, s15;
	s15 =	sadd.s32 $0xBA00, s31  }
.LBB2_1:
0x1b: {  	[tilespmem:s16], [sflag:$0x2] =	stream.linear.gather [hbm4b:s5+s4], $0x4000, $0x38;
	[tilespmem:$0x1A480] =	vst v63  }
0x1c: {  	_ =	swait.ge [sflag:s17], $0x4000  }
0x1d: {  	[sflag:s17] =	ssyncset.done $0x0  }
0x1e: {  	[sflag:s17] =	ssyncadd.s32 $0xFFFFC000  }
0x1f: {  	[spmem:s7] =	stream.linear.scatter [tilespmem:s16], [sflag:$0x2], $0x4000, $0x38;
	[tilespmem:$0x1A480] =	vst v63  }
0x20: {  	_ =	swait.ge [sflag:s17], $0x4000  }
0x21: {  	[sflag:s17] =	ssyncset.done $0x0  }
0x22: {  	[sflag:s17] =	ssyncadd.s32 $0xFFFFC000  }
0x23: {  	[spmem:s8] =	stream.linear.scatter [tilespmem:s16], [sflag:$0x2], $0x4000, $0x38;
	[tilespmem:$0x1A480] =	vst v63  }
0x24: {  	_ =	swait.ge [sflag:s17], $0x4000  }
0x25: {  	[sflag:s17] =	ssyncset.done $0x0  }
0x26: {  	[sflag:s17] =	ssyncadd.s32 $0xFFFFC000  }
0x27: {  	[spmem:s9] =	stream.linear.scatter [tilespmem:s16], [sflag:$0x2], $0x4000, $0x38;
	[tilespmem:$0x1A480] =	vst v63  }
0x28: {  	_ =	swait.ge [sflag:s17], $0x4000  }
0x29: {  	[sflag:s17] =	ssyncset.done $0x0  }
0x2a: {  	[sflag:s17] =	ssyncadd.s32 $0xFFFFC000  }
0x2b: {  	[spmem:s10] =	stream.linear.scatter [tilespmem:s16], [sflag:$0x2], $0x4000, $0x38;
	[tilespmem:$0x1A480] =	vst v63  }
0x2c: {  	_ =	swait.ge [sflag:s17], $0x4000  }
0x2d: {  	[sflag:s17] =	ssyncset.done $0x0  }
0x2e: {  	[sflag:s17] =	ssyncadd.s32 $0xFFFFC000  }
0x2f: {  	[spmem:s11] =	stream.linear.scatter [tilespmem:s16], [sflag:$0x2], $0x3C00, $0x38;
	[tilespmem:$0x1A480] =	vst v63  }
0x30: {  	_ =	swait.ge [sflag:s17], $0x3C00  }
0x31: {  	[sflag:s17] =	ssyncset.done $0x0  }
0x32: {  	[sflag:s17] =	ssyncadd.s32 $0xFFFFC400  }
0x33: {  	[tilespmem:s18], [sflag:$0x2] =	stream.linear.gather [hbm4b:s6+s4], $0x2780, $0x38;
	[tilespmem:$0x1A480] =	vst v63  }
0x34: {  	_ =	swait.ge [sflag:s17], $0x2780  }
0x35: {  	[sflag:s17] =	ssyncset.done $0x0  }
0x36: {  	[sflag:s17] =	ssyncadd.s32 $0xFFFFD880  }
0x37: {  	s29 =	simm.s32 $0x0;
	[bflag:$0x0] =	sbarrier.arrive $0xFFFF  }
.LBB2_2:
0x38: {  	s30 =	sadd.s32 s29, s15  }
0x39: {  	[tilespmem:s4], [sflag:$0x2] =	stream.linear.gather [hbm4b:s30+s4], $0x80, $0x38;
	[tilespmem:$0x1A480] =	vst v63  }
0x3a: {  	_ =	swait.ge [sflag:s17], $0x80  }
0x3b: {  	[sflag:s17] =	ssyncset.done $0x0  }
0x3c: {  	s31 =	sadd.s32 s29, s14;
	[sflag:s17] =	ssyncadd.s32 $0xFFFFFF80  }
0x3d: {  	[tilespmem:s19], [sflag:$0x2] =	stream.linear.gather [hbm4b:s31+s4], $0x80, $0x38;
	[tilespmem:$0x1A480] =	vst v63  }
0x3e: {  	_ =	swait.ge [sflag:s17], $0x80  }
0x3f: {  	[sflag:s17] =	ssyncset.done $0x0  }
0x40: {  	[sflag:s17] =	ssyncadd.s32 $0xFFFFFF80  }
0x41: {  	[tilespmem:s16], [sflag:$0x1] =	stream.indirect.gather [hbm4b:s1+s19], $0x80, s4, s19, $0xb8;
	[tilespmem:$0x1A480] =	vst v63  }
0x42: {  	_ =	swait.ge [sflag:s25], $0x4000  }
0x43: {  	[sflag:s25] =	ssyncset.done $0x0  }
0x44: {  	[sflag:s25] =	ssyncadd.s32 $0xFFFFC000  }
0x45: {  	[spmem:s3] =	stream.indirect.scatter.add.f32 [tilespmem:s16], [sflag:$0x2], $0x80, s19, s19, $0xb8;
	[tilespmem:$0x1A480] =	vst v63  }
0x46: {  	_ =	swait.ge [sflag:s17], $0x4000  }
0x47: {  	[sflag:s17] =	ssyncset.done $0x0  }
0x48: {  	[sflag:s17] =	ssyncadd.s32 $0xFFFFC000  }
0x49: {  	v1 =	vld [tilespmem:$0x80];
	_ =	sdelay $0x7  }
0x4a: {  	[tilespmem:v1+s18+$0x0] =	vst.idx.add.f32.msk $0xffff, v0  }
0x4b: {  	v1 =	vld [tilespmem:$0x90];
	_ =	sdelay $0x7  }
0x4c: {  	[tilespmem:v1+s18+$0x0] =	vst.idx.add.f32.msk $0xffff, v0  }
0x4d: {  	v1 =	vld [tilespmem:$0xA0];
	_ =	sdelay $0x7  }
0x4e: {  	[tilespmem:v1+s18+$0x0] =	vst.idx.add.f32.msk $0xffff, v0  }
0x4f: {  	v1 =	vld [tilespmem:$0xB0];
	_ =	sdelay $0x7  }
0x50: {  	[tilespmem:v1+s18+$0x0] =	vst.idx.add.f32.msk $0xffff, v0  }
0x51: {  	v1 =	vld [tilespmem:$0xC0];
	_ =	sdelay $0x7  }
0x52: {  	[tilespmem:v1+s18+$0x0] =	vst.idx.add.f32.msk $0xffff, v0  }
0x53: {  	v1 =	vld [tilespmem:$0xD0];
	_ =	sdelay $0x7  }
0x54: {  	[tilespmem:v1+s18+$0x0] =	vst.idx.add.f32.msk $0xffff, v0  }
0x55: {  	v1 =	vld [tilespmem:$0xE0];
	_ =	sdelay $0x7  }
0x56: {  	[tilespmem:v1+s18+$0x0] =	vst.idx.add.f32.msk $0xffff, v0  }
0x57: {  	v1 =	vld [tilespmem:$0xF0];
	_ =	sdelay $0x2  }
0x58: {  	p0 =	sne.s32 s29, $0x4E0  }
.Ltmp0:
0x59: {  	_ = 	snop;
	(pc) =	sbr.rel @p0 .LBB2_2-.Ltmp0, $2  }
0x5a: {  	_ =	sdelay $0x2  }
0x5b: {  	s29 =	sadd.s32 $0x10, s29;
	[tilespmem:v1+s18+$0x0] =	vst.idx.add.f32.msk $0xffff, v0  }
0x5c: {  	[bflag:$0x0] =	sbarrier.arrive $0xFFFF  }
0x5d: {  	[tilespmem:s16], [sflag:$0x2] =	stream.linear.gather [spmem:s7], $0x4000, $0x38;
	[tilespmem:$0x1A480] =	vst v63  }
0x5e: {  	_ =	swait.ge [sflag:s17], $0x4000  }
0x5f: {  	[sflag:s17] =	ssyncset.done $0x0  }
0x60: {  	[sflag:s17] =	ssyncadd.s32 $0xFFFFC000  }
0x61: {  	[hbm4b:s20+s4] =	stream.linear.scatter [tilespmem:s16], [sflag:$0x2], $0x4000, $0x38;
	[tilespmem:$0x1A480] =	vst v63  }
0x62: {  	_ =	swait.ge [sflag:s17], $0x4000  }
0x63: {  	[sflag:s17] =	ssyncset.done $0x0  }
0x64: {  	[sflag:s17] =	ssyncadd.s32 $0xFFFFC000  }
0x65: {  	[tilespmem:s16], [sflag:$0x2] =	stream.linear.gather [spmem:s8], $0x4000, $0x38;
	[tilespmem:$0x1A480] =	vst v63  }
0x66: {  	_ =	swait.ge [sflag:s17], $0x4000  }
0x67: {  	[sflag:s17] =	ssyncset.done $0x0  }
0x68: {  	[sflag:s17] =	ssyncadd.s32 $0xFFFFC000  }
0x69: {  	[hbm4b:s21+s4] =	stream.linear.scatter [tilespmem:s16], [sflag:$0x2], $0x4000, $0x38;
	[tilespmem:$0x1A480] =	vst v63  }
0x6a: {  	_ =	swait.ge [sflag:s17], $0x4000  }
0x6b: {  	[sflag:s17] =	ssyncset.done $0x0  }
0x6c: {  	[sflag:s17] =	ssyncadd.s32 $0xFFFFC000  }
0x6d: {  	[tilespmem:s16], [sflag:$0x2] =	stream.linear.gather [spmem:s9], $0x4000, $0x38;
	[tilespmem:$0x1A480] =	vst v63  }
0x6e: {  	_ =	swait.ge [sflag:s17], $0x4000  }
0x6f: {  	[sflag:s17] =	ssyncset.done $0x0  }
0x70: {  	[sflag:s17] =	ssyncadd.s32 $0xFFFFC000  }
0x71: {  	[hbm4b:s22+s4] =	stream.linear.scatter [tilespmem:s16], [sflag:$0x2], $0x4000, $0x38;
	[tilespmem:$0x1A480] =	vst v63  }
0x72: {  	_ =	swait.ge [sflag:s17], $0x4000  }
0x73: {  	[sflag:s17] =	ssyncset.done $0x0  }
0x74: {  	[sflag:s17] =	ssyncadd.s32 $0xFFFFC000  }
0x75: {  	[tilespmem:s16], [sflag:$0x2] =	stream.linear.gather [spmem:s10], $0x4000, $0x38;
	[tilespmem:$0x1A480] =	vst v63  }
0x76: {  	_ =	swait.ge [sflag:s17], $0x4000  }
0x77: {  	[sflag:s17] =	ssyncset.done $0x0  }
0x78: {  	[sflag:s17] =	ssyncadd.s32 $0xFFFFC000  }
0x79: {  	[hbm4b:s23+s4] =	stream.linear.scatter [tilespmem:s16], [sflag:$0x2], $0x4000, $0x38;
	[tilespmem:$0x1A480] =	vst v63  }
0x7a: {  	_ =	swait.ge [sflag:s17], $0x4000  }
0x7b: {  	[sflag:s17] =	ssyncset.done $0x0  }
0x7c: {  	[sflag:s17] =	ssyncadd.s32 $0xFFFFC000  }
0x7d: {  	[tilespmem:s16], [sflag:$0x2] =	stream.linear.gather [spmem:s11], $0x3C00, $0x38;
	[tilespmem:$0x1A480] =	vst v63  }
0x7e: {  	_ =	swait.ge [sflag:s17], $0x3C00  }
0x7f: {  	[sflag:s17] =	ssyncset.done $0x0  }
0x80: {  	[sflag:s17] =	ssyncadd.s32 $0xFFFFC400  }
0x81: {  	[hbm4b:s24+s4] =	stream.linear.scatter [tilespmem:s16], [sflag:$0x2], $0x3C00, $0x38;
	[tilespmem:$0x1A480] =	vst v63  }
0x82: {  	s28 =	sadd.s32 $0x1, s28;
	_ =	swait.ge [sflag:s17], $0x3C00  }
0x83: {  	p0 =	sne.s32 s28, s13;
	[sflag:s17] =	ssyncset.done $0x0  }
.Ltmp1:
0x84: {  	[sflag:s17] =	ssyncadd.s32 $0xFFFFC400;
	(pc) =	sbr.rel @p0 .LBB2_1-.Ltmp1, $4  }
0x85: {  	[hbm4b:s12+s19] =	stream.strided.scatter [tilespmem:s18], [sflag:$0x2], $0x2780, s26, s19, $0x38;
	[tilespmem:$0x1A480] =	vst v63  }
0x86: {  	_ =	swait.ge [sflag:s17], $0x2780  }
0x87: {  	[sflag:s17] =	ssyncset.done $0x0  }
0x88: {  	[sflag:s17] =	ssyncadd.s32 $0xFFFFD880  }
0x89: {  	_ =	sfence.sel $0x180000  }
0x8a: {  	[bflag:$0x0] =	sbarrier.arrive $0xFFFF  }
0x8b: {  	p0 =	sne.s32 s2, $0x0;
	_ =	strace $0x90000047  }
0x8c: {  	s0 =	sadd.s32 @!p0 $0x100000, s0;
	[bflag:$0x2] =	sbarrier.arrive $0xFFFF  }
0x8d: {  	[sflag:s0] =	ssyncadd.tile.s32 @!p0 $0x1;
	_ =	shalt  }
.Lfunc_end2:
_tile_overlayer_lowered:
.L_overlay_start_2:
0x8e: {  	(tag) =	ssettag $0x2  }
0x8f: {  	s0 =	rddreg [dreg:$0x0];
	s2 =	stileid.u32  }
0x90: {  	s1 =	rddreg [dreg:$0x1];
	p0 =	sne.s32 s2, $0x0  }
0x91: {  	s3 =	rddreg [dreg:$0x2];
	[bflag:$0x3] =	sbarrier.arrive $0xFFFF;
	s2 =	simm.s32 @!p0 $0x1C02  }
0x92: {  	[timem:s3], [sflag:s2] =	dma.local @!p0 [hbm:s0], s1  }
0x93: {  	s0 =	simm.s32 @!p0 $0x2  }
0x94: {  	_ =	swait.ge @!p0 [sflag:s0], s1  }
0x95: {  	s1 =	ssub.s32 @!p0 $0x0, s1;
	[sflag:s0] =	ssyncset.done @!p0 $0x0  }
0x96: {  	[sflag:s0] =	ssyncadd.s32 @!p0 s1  }
0x97: {  	[bflag:$0x3] =	sbarrier.arrive $0xFFFF  }
0x98: {  	_ =	shalt  }

// kernel: kernel.9.cloned.1.call-start
scs
__scs_entry_jumppad:
0x0: {  	(pc) =	sbr.rel $0x88, $3  }
0x1: {  	(tag) =	ssettag $0x0;
	lr =	simm.s32 $0x1  }
0x2: {  	[smem:$0x3F99] =	sst lr;
	_ =	strace $0xD0000000  }
0x3: {  	_ = 	snop  }
0x4: {  	_ = 	snop  }
0x5: {  	_ = 	snop  }
0x6: {  	_ = 	snop  }
0x7: {  	_ = 	snop  }
__scs_overlays_trampoline_lowered:
0x8: {  	[smem:$0x3FA8] =	sst s0  }
0x9: {  	[smem:$0x3FA9] =	sst s1  }
0xa: {  	[smem:$0x3FAA] =	sst s2  }
0xb: {  	[smem:$0x3FAB] =	sst s3  }
0xc: {  	[smem:$0x3FAC] =	sst s4  }
0xd: {  	[smem:$0x3FAD] =	sst s5  }
0xe: {  	[smem:$0x3FAE] =	sst s6  }
0xf: {  	[smem:$0x3FAF] =	sst s7  }
0x10: {  	[smem:$0x3FB0] =	sst s8  }
0x11: {  	[smem:$0x3FB1] =	sst s9;
	s0 =	simm.s32 @!p0 $0x0  }
0x12: {  	s1 =	sld [smem:$0x3F97];
	s0 =	simm.s32 @p0 $0x1  }
0x13: {  	[smem:$0x3FB2] =	sst s0;
	s0 =	simm.s32 @!p1 $0x0  }
0x14: {  	s2 =	sld [smem:$0x3F96];
	s0 =	simm.s32 @p1 $0x1  }
0x15: {  	[smem:$0x3FB3] =	sst s0;
	s0 =	simm.s32 @!p2 $0x0  }
0x16: {  	s3 =	sld [smem:$0x3FDB];
	s0 =	simm.s32 @p2 $0x1  }
0x17: {  	s4 =	simm.s32 $0x1BF5;
	[smem:$0x3FB5] =	sst s0  }
0x18: {  	s0 =	sld [smem:$0x3F98];
	_ =	swait.ge [sflag:s4], $0x0  }
0x19: {  	s7 =	sld [smem:$0x3F99]  }
0x1a: {  	s8 =	sadd.s32 $0xFFFFE003, lr  }
0x1b: {  	s9 =	sadd.s32 $0xFFFFFEF7, lr;
	s5 =	simm.s32 $0xFFFFFFFF;
	p2 =	slt.u32 s8, $0xFFFFF086  }
0x1c: {  	p1 =	slt.u32 s9, $0xF7A;
	s5 =	simm.s32 @!p2 $0x0  }
0x1d: {  	s5 =	simm.s32 @p1 $0x1;
	p0 =	seq.s32 s7, s2  }
0x1e: {  	s7 =	smul.u32 @!p0 $0xF7A, s2;
	p2 =	seq.s32 @!p0 s5, $0x0  }
0x1f: {  	s9 =	smul.u32 $0xF7A, s1;
	s8 =	simm.s32 @!p0 $0x1BF5;
	p2 =	por !p2, p0  }
0x20: {  	[sflag:s8] =	ssyncset.s32 @!p0 $0xFFFFF086;
	s6 =	sadd.s32 @!p0 s3, s7;
	s7 =	simm.s32 @!p0 $0x108  }
0x21: {  	s3 =	sadd.s32 s3, s9;
	s6 =	sadd.s32 @!p0 $0x88, s6;
	s7 =	simm.s32 @p2 $0x1082  }
0x22: {  	[simem:s7], [sflag:s8] =	dma.local @!p0 [hbm:s6], $0xF7A  }
0x23: {  	s9 =	sor.u32 $0xD0000000, s2;
	s6 =	simm.s32 $0x108;
	_ =	swait.ge @!p0 [sflag:s8], $0x0  }
0x24: {  	s3 =	sadd.s32 $0x88, s3;
	s6 =	simm.s32 @!p1 $0x1082;
	[sflag:s4] =	ssyncset.s32 $0xFFFFF086  }
0x25: {  	[simem:s6], [sflag:s4] =	dma.local [hbm:s3], $0xF7A  }
0x26: {  	[smem:$0x3F99] =	sst s1;
	(tag) =	ssettag s2;
	_ =	strace s9  }
0x27: {  	s1 =	sld [smem:$0x3FA9]  }
0x28: {  	s2 =	sld [smem:$0x3FAA]  }
0x29: {  	s4 =	sld [smem:$0x3FAC]  }
0x2a: {  	p0 =	seq.s32 s5, $0x0;
	s5 =	sld [smem:$0x3FAD]  }
0x2b: {  	s6 =	sld [smem:$0x3FAE]  }
0x2c: {  	s7 =	sld [smem:$0x3FAF]  }
0x2d: {  	s3 =	simm.s32 $0x108;
	s8 =	sld [smem:$0x3FB0]  }
0x2e: {  	s3 =	simm.s32 @!p0 $0x1082;
	s9 =	sld [smem:$0x3FB1]  }
0x2f: {  	lr =	sadd.s32 s0, s3;
	s0 =	sld [smem:$0x3FA8]  }
0x30: {  	s3 =	sld [smem:$0x3FAB]  }
0x31: {  	[smem:$0x3FB4] =	sst s10  }
0x32: {  	s10 =	sld [smem:$0x3FB2];
	_ =	sdelay $0x3  }
0x33: {  	p0 =	seq.s32 s10, $0x1;
	s10 =	sld [smem:$0x3FB4];
	_ =	sdelay $0x3  }
0x34: {  	[smem:$0x3FB4] =	sst s10  }
0x35: {  	s10 =	sld [smem:$0x3FB3];
	_ =	sdelay $0x3  }
0x36: {  	p1 =	seq.s32 s10, $0x1;
	s10 =	sld [smem:$0x3FB4];
	_ =	sdelay $0x3  }
0x37: {  	[smem:$0x3FB4] =	sst s10  }
0x38: {  	s10 =	sld [smem:$0x3FB5]  }
0x39: {  	_ = 	snop;
	(pc) =	sbr.ind lr, $3  }
0x3a: {  	_ = 	snop  }
0x3b: {  	_ = 	snop  }
0x3c: {  	p2 =	seq.s32 s10, $0x1;
	s10 =	sld [smem:$0x3FB4]  }
0x3d: {  	_ =	shalt  }
0x3e: {  	_ =	shalt  }
0x3f: {  	_ =	shalt  }
0x40: {  	_ =	shalt  }
0x41: {  	_ =	shalt  }
0x42: {  	_ =	shalt  }
0x43: {  	_ =	shalt  }
0x44: {  	_ =	shalt  }
0x45: {  	_ =	shalt  }
0x46: {  	_ =	shalt  }
0x47: {  	_ =	shalt  }
0x48: {  	_ =	shalt  }
0x49: {  	_ =	shalt  }
0x4a: {  	_ =	shalt  }
0x4b: {  	_ =	shalt  }
0x4c: {  	_ =	shalt  }
0x4d: {  	_ =	shalt  }
0x4e: {  	_ =	shalt  }
0x4f: {  	_ =	shalt  }
0x50: {  	_ =	shalt  }
0x51: {  	_ =	shalt  }
0x52: {  	_ =	shalt  }
0x53: {  	_ =	shalt  }
0x54: {  	_ =	shalt  }
0x55: {  	_ =	shalt  }
0x56: {  	_ =	shalt  }
0x57: {  	_ =	shalt  }
0x58: {  	_ =	shalt  }
0x59: {  	_ =	shalt  }
0x5a: {  	_ =	shalt  }
0x5b: {  	_ =	shalt  }
0x5c: {  	_ =	shalt  }
0x5d: {  	_ =	shalt  }
0x5e: {  	_ =	shalt  }
0x5f: {  	_ =	shalt  }
0x60: {  	_ =	shalt  }
0x61: {  	_ =	shalt  }
0x62: {  	_ =	shalt  }
0x63: {  	_ =	shalt  }
0x64: {  	_ =	shalt  }
0x65: {  	_ =	shalt  }
0x66: {  	_ =	shalt  }
0x67: {  	_ =	shalt  }
0x68: {  	_ =	shalt  }
0x69: {  	_ =	shalt  }
0x6a: {  	_ =	shalt  }
0x6b: {  	_ =	shalt  }
0x6c: {  	_ =	shalt  }
0x6d: {  	_ =	shalt  }
0x6e: {  	_ =	shalt  }
0x6f: {  	_ =	shalt  }
0x70: {  	_ =	shalt  }
0x71: {  	_ =	shalt  }
0x72: {  	_ =	shalt  }
0x73: {  	_ =	shalt  }
0x74: {  	_ =	shalt  }
0x75: {  	_ =	shalt  }
0x76: {  	_ =	shalt  }
0x77: {  	_ =	shalt  }
0x78: {  	_ =	shalt  }
0x79: {  	_ =	shalt  }
0x7a: {  	_ =	shalt  }
0x7b: {  	_ =	shalt  }
0x7c: {  	_ =	shalt  }
0x7d: {  	_ =	shalt  }
0x7e: {  	_ =	shalt  }
0x7f: {  	_ =	shalt  }
0x80: {  	_ =	shalt  }
0x81: {  	_ =	shalt  }
0x82: {  	_ =	shalt  }
0x83: {  	_ =	shalt  }
0x84: {  	_ =	shalt  }
0x85: {  	_ =	shalt  }
0x86: {  	_ =	shalt  }
0x87: {  	_ =	shalt  }
.Lfunc_end0:
.L_simem_size_0:
called_computation.1_lowered:
.L_overlay_start_0:
0x88: {  	s2 =	sld [smem:$0x3FD9]  }
0x89: {  	s3 =	sld [smem:$0x3FFE];
	_ =	sdelay $0x1  }
0x8a: {  	s1 =	srdreg.scid  }
0x8b: {  	s0 =	sand.u32 $0x1, s1  }
0x8c: {  	s17 =	sshll.u32 s0, $0xA;
	s2 =	sadd.s32 s3, s2  }
0x8d: {  	s2 =	sadd.s32 s2, s17  }
0x8e: {  	[smem:$0x3FC0] =	sst s2  }
0x8f: {  	_ = 	snop  }
0x90: {  	s2 =	sld [smem:$0x3FD0];
	(tm) =	ssettm $0x1  }
0x91: {  	s18 =	sld [smem:$0x3FFB];
	_ =	sdelay $0x3  }
0x92: {  	_ =	strace s18  }
0x93: {  	s3 =	sld [smem:$0x3FFC];
	_ =	sdelay $0x3  }
0x94: {  	_ =	strace s3  }
0x95: {  	s3 =	sld [smem:$0x3FFD];
	_ =	sdelay $0x3  }
0x96: {  	_ =	strace s3  }
0x97: {  	_ =	strace $0x8FFFFFFF  }
0x98: {  	s19 =	sld [smem:$0x3FDB];
	_ =	sdelay $0x1  }
0x99: {  	s4 =	simm.s32 $_scs_section_size  }
0x9a: {  	s5 =	simm.s32 $_size__tile_overlayer_lowered;
	s6 =	simm.s32 $_tile_overlayer_lowered  }
0x9b: {  	s22 =	simm.s32 $0x1BFF;
	s21 =	sshll.u32 s6, $0x1;
	s3 =	sadd.s32 s4, s19  }
0x9c: {  	s7 =	simm.s32 $0x0;
	s20 =	sshll.u32 s5, $0x1;
	s5 =	sadd.s32 s21, s3  }
0x9d: {  	[timem:s7], [sflag:s22] =	dma.local [hbm:s5], s20  }
0x9e: {  	_ =	swait.ge [sflag:s22], s20  }
0x9f: {  	s4 =	ssub.s32 $0x0, s20;
	[sflag:s22] =	ssyncset.done $0x0  }
0xa0: {  	[sflag:s22] =	ssyncadd.s32 s4;
	_ =	sdelay $0x1  }
0xa1: {  	s23 =	simm.s32 $0x1B8B  }
0xa2: {  	_ =	swait.ge [sflag:s23], $0x1  }
0xa3: {  	[sflag:s23] =	ssyncset.done $0x0  }
0xa4: {  	s25 =	simm.s32 $0x1B8E;
	s24 =	sld [smem:$0x3FFE];
	[sflag:s23] =	ssyncadd.s32 $0xFFFFFFFF  }
0xa5: {  	s26 =	simm.s32 $execute0_lowered;
	[smem:$0x3FD2] =	sst s25  }
0xa6: {  	s5 =	sshll.u32 s26, $0x1;
	_ =	strace $0x80000049;
	[dreg:$0x1] =	wrdreg $0xFFFFFFFF  }
0xa7: {  	s28 =	simm.s32 $_size_execute0_lowered;
	s3 =	sadd.s32 s3, s5;
	[dreg:$0x0] =	wrdreg $0x0  }
0xa8: {  	s5 =	sshll.u32 s28, $0x1;
	[dreg:$0x2] =	wrdreg s3  }
0xa9: {  	[dreg:$0x3] =	wrdreg s5  }
0xaa: {  	[dreg:$0x4] =	wrdreg $0xC0  }
0xab: {  	_ =	task [dreg:s7], $0x5FFFF  }
0xac: {  	[dreg:$0x1] =	wrdreg $0xFFFFFFFF  }
0xad: {  	[dreg:$0x0] =	wrdreg $0x60  }
0xae: {  	[dreg:$0x2] =	wrdreg s2  }
0xaf: {  	[dreg:$0x3] =	wrdreg s24  }
0xb0: {  	[dreg:$0x4] =	wrdreg $0x68800  }
0xb1: {  	[dreg:$0x5] =	wrdreg $0x9  }
0xb2: {  	_ =	task.clear_ibuf [dreg:s7], $0x6FFFF;
	_ =	strace $0x90000049  }
0xb3: {  	s29 =	simm.s32 $0x9;
	_ =	strace $0x8000004B  }
0xb4: {  	_ =	swait.ge [sflag:s29], $0x1  }
0xb5: {  	[sflag:s29] =	ssyncadd.s32 $0xFFFFFFFF  }
0xb6: {  	_ =	strace $0x9000004B  }
0xb7: {  	_ =	sfence  }
0xb8: {  	s30 =	sld [smem:$0x0];
	_ =	sdelay $0x2  }
0xb9: {  	s31 =	sshll.u32 s1, $0xD;
	s1 =	sshrl.u32 s1, $0x2  }
0xba: {  	s3 =	sand.u32 $0x4000, s31;
	s1 =	sadd.s32 s1, s30  }
0xbb: {  	s0 =	sor.u32 s3, s0;
	s1 =	sshll.u32 s1, $0x11  }
0xbc: {  	s0 =	sor.u32 s1, s0  }
0xbd: {  	s0 =	sadd.s32 $0x8F2B, s0  }
0xbe: {  	[sflag:s0] =	ssyncadd.remote.s32 $0x1  }
0xbf: {  	_ =	sfence.sel $0xFFFF  }
0xc0: {  	[dreg:$0x0] =	wrdreg $0xFFFFFFFF;
	(pc) =	sbr.abs _section_cstart, $3  }
0xc1: {  	[dreg:$0x1] =	wrdreg $0xFFFFFFFF  }
0xc2: {  	_ =	task.clear_ibuf [dreg:s7], $0x2FFFF;
	_ =	strace $0x9FFFFFFF  }
0xc3: {  	(tm) =	ssettm $0x7FFFFFFF  }
tec
execute0_lowered:
.L_overlay_start_1:
0x0: {  	(tag) =	ssettag $0x1  }
0x1: {  	s1 =	rddreg [dreg:$0x0]  }
0x2: {  	s7 =	rddreg [dreg:$0x1]  }
0x3: {  	s3 =	rddreg [dreg:$0x2]  }
0x4: {  	s0 =	rddreg [dreg:$0x3];
	s2 =	stileid.u32  }
0x5: {  	s4 =	simm.s32 $0x0;
	s5 =	srdreg.scid;
	s6 =	smul.u32 $0x9E0, s2  }
0x6: {  	s28 =	simm.s32 $0x0;
	[smem:$0x7FF] =	sst s4;
	s20 =	smul.u32 $0x278, s2  }
0x7: {  	s12 =	sand.u32 $0x1, s5;
	s17 =	sshrl.u32 s2, $0x2;
	s14 =	smul.u32 $0x4F000, s2  }
0x8: {  	s8 =	sshll.u32 s2, $0x8;
	s5 =	sadd.s32 $0x15E00, s7;
	s10 =	smul.u32 $0x13C00, s17  }
0x9: {  	_ =	strace $0x8000004A;
	s9 =	sshll.u32 s12, $0x7;
	s19 =	smul.u32 $0x27800, s12  }
0xa: {  	s11 =	ssub.s32 $0x2, s12;
	s31 =	smul.u32 $0x4F0, s12;
	s13 =	sadd.s32 s6, s7  }
0xb: {  	s18 =	sor.u32 s9, s8;
	s6 =	sadd.s32 $0x15800, s7;
	s21 =	sshrl.u32 s11, $0x1  }
0xc: {  	s22 =	sshrl.u32 s14, $0x2;
	s23 =	sadd.s32 $0x80, s20;
	s9 =	sand.u32 $0x380, s18  }
0xd: {  	s15 =	sadd.s32 s19, s7;
	s17 =	ssub.s32 s11, s21;
	s25 =	sshll.u32 s23, $0x7  }
0xe: {  	s18 =	sadd.s32 $0x100, s20;
	s19 =	sadd.s32 $0x180, s20;
	s20 =	sadd.s32 $0x200, s20  }
0xf: {  	s21 =	smul.u32 $0x2780, s2;
	s9 =	sor.u32 s10, s9;
	s8 =	sadd.s32 s25, s3  }
0x10: {  	s26 =	sshll.u32 s18, $0x7;
	s29 =	sshll.u32 s19, $0x7;
	s30 =	sshll.u32 s20, $0x7  }
0x11: {  	s24 =	sadd.s32 $0x20400, s15;
	s25 =	sshll.u32 s19, $0x4;
	s15 =	sadd.s32 s31, s13  }
0x12: {  	s13 =	smax.u32 s17, $0x1;
	s17 =	simm.s32 $0x2;
	s19 =	simm.s32 $0x80  }
0x13: {  	s9 =	sshrl.u32 s9, $0x3;
	s10 =	sadd.s32 s29, s3;
	s11 =	sadd.s32 s30, s3  }
0x14: {  	s14 =	sadd.s32 $0x1C00, s15;
	s15 =	sadd.s32 $0xBA00, s15;
	s16 =	sadd.s32 s9, s7  }
0x15: {  	s7 =	sadd.s32 s22, s3;
	s9 =	sadd.s32 s26, s3;
	s22 =	sshll.u32 s23, $0x4  }
0x16: {  	s23 =	sshll.u32 s18, $0x4;
	s26 =	sshll.u32 s20, $0x4;
	s18 =	simm.s32 $0x4100  }
0x17: {  	s20 =	sadd.s32 s21, s24;
	s12 =	sadd.s32 $0x16600, s16;
	s16 =	simm.s32 $0x100  }
0x18: {  	s21 =	sadd.s32 s22, s24;
	s22 =	sadd.s32 s23, s24;
	s23 =	sadd.s32 s25, s24  }
0x19: {  	v0 =	vimm.f32 $1.000000000e+00;
	s24 =	sadd.s32 s26, s24;
	s25 =	simm.s32 $0x1;
	s26 =	simm.s32 $0x400  }
.LBB2_1:
0x1a: {  	[tilespmem:s16], [sflag:$0x2] =	stream.linear.gather [hbm4b:s5+s4], $0x4000, $0x38;
	[tilespmem:$0x1A480] =	vst v63  }
0x1b: {  	_ =	swait.ge [sflag:s17], $0x4000  }
0x1c: {  	[sflag:s17] =	ssyncset.done $0x0  }
0x1d: {  	[sflag:s17] =	ssyncadd.s32 $0xFFFFC000  }
0x1e: {  	[spmem:s7] =	stream.linear.scatter [tilespmem:s16], [sflag:$0x2], $0x4000, $0x38;
	[tilespmem:$0x1A480] =	vst v63  }
0x1f: {  	_ =	swait.ge [sflag:s17], $0x4000  }
0x20: {  	[sflag:s17] =	ssyncset.done $0x0  }
0x21: {  	[sflag:s17] =	ssyncadd.s32 $0xFFFFC000  }
0x22: {  	[spmem:s8] =	stream.linear.scatter [tilespmem:s16], [sflag:$0x2], $0x4000, $0x38;
	[tilespmem:$0x1A480] =	vst v63  }
0x23: {  	_ =	swait.ge [sflag:s17], $0x4000  }
0x24: {  	[sflag:s17] =	ssyncset.done $0x0  }
0x25: {  	[sflag:s17] =	ssyncadd.s32 $0xFFFFC000  }
0x26: {  	[spmem:s9] =	stream.linear.scatter [tilespmem:s16], [sflag:$0x2], $0x4000, $0x38;
	[tilespmem:$0x1A480] =	vst v63  }
0x27: {  	_ =	swait.ge [sflag:s17], $0x4000  }
0x28: {  	[sflag:s17] =	ssyncset.done $0x0  }
0x29: {  	[sflag:s17] =	ssyncadd.s32 $0xFFFFC000  }
0x2a: {  	[spmem:s10] =	stream.linear.scatter [tilespmem:s16], [sflag:$0x2], $0x4000, $0x38;
	[tilespmem:$0x1A480] =	vst v63  }
0x2b: {  	_ =	swait.ge [sflag:s17], $0x4000  }
0x2c: {  	[sflag:s17] =	ssyncset.done $0x0  }
0x2d: {  	[sflag:s17] =	ssyncadd.s32 $0xFFFFC000  }
0x2e: {  	[spmem:s11] =	stream.linear.scatter [tilespmem:s16], [sflag:$0x2], $0x3C00, $0x38;
	[tilespmem:$0x1A480] =	vst v63  }
0x2f: {  	_ =	swait.ge [sflag:s17], $0x3C00  }
0x30: {  	[sflag:s17] =	ssyncset.done $0x0  }
0x31: {  	[sflag:s17] =	ssyncadd.s32 $0xFFFFC400  }
0x32: {  	[tilespmem:s18], [sflag:$0x2] =	stream.linear.gather [hbm4b:s6+s4], $0x2780, $0x38;
	[tilespmem:$0x1A480] =	vst v63  }
0x33: {  	_ =	swait.ge [sflag:s17], $0x2780  }
0x34: {  	[sflag:s17] =	ssyncset.done $0x0  }
0x35: {  	[sflag:s17] =	ssyncadd.s32 $0xFFFFD880  }
0x36: {  	s29 =	simm.s32 $0x0;
	[bflag:$0x0] =	sbarrier.arrive $0xFFFF  }
.LBB2_2:
0x37: {  	s30 =	sadd.s32 s29, s15  }
0x38: {  	[tilespmem:s4], [sflag:$0x2] =	stream.linear.gather [hbm4b:s30+s4], $0x80, $0x38;
	[tilespmem:$0x1A480] =	vst v63  }
0x39: {  	_ =	swait.ge [sflag:s17], $0x80  }
0x3a: {  	[sflag:s17] =	ssyncset.done $0x0  }
0x3b: {  	s31 =	sadd.s32 s29, s14;
	[sflag:s17] =	ssyncadd.s32 $0xFFFFFF80  }
0x3c: {  	[tilespmem:s19], [sflag:$0x2] =	stream.linear.gather [hbm4b:s31+s4], $0x80, $0x38;
	[tilespmem:$0x1A480] =	vst v63  }
0x3d: {  	_ =	swait.ge [sflag:s17], $0x80  }
0x3e: {  	[sflag:s17] =	ssyncset.done $0x0  }
0x3f: {  	[sflag:s17] =	ssyncadd.s32 $0xFFFFFF80  }
0x40: {  	[tilespmem:s16], [sflag:$0x1] =	stream.indirect.gather [hbm4b:s1+s19], $0x80, s4, s19, $0xb8;
	[tilespmem:$0x1A480] =	vst v63  }
0x41: {  	_ =	swait.ge [sflag:s25], $0x4000  }
0x42: {  	[sflag:s25] =	ssyncset.done $0x0  }
0x43: {  	[sflag:s25] =	ssyncadd.s32 $0xFFFFC000  }
0x44: {  	[spmem:s3] =	stream.indirect.scatter.add.f32 [tilespmem:s16], [sflag:$0x2], $0x80, s19, s19, $0xb8;
	[tilespmem:$0x1A480] =	vst v63  }
0x45: {  	_ =	swait.ge [sflag:s17], $0x4000  }
0x46: {  	[sflag:s17] =	ssyncset.done $0x0  }
0x47: {  	[sflag:s17] =	ssyncadd.s32 $0xFFFFC000  }
0x48: {  	v1 =	vld [tilespmem:$0x80];
	_ =	sdelay $0x7  }
0x49: {  	[tilespmem:v1+s18+$0x0] =	vst.idx.add.f32.msk $0xffff, v0  }
0x4a: {  	v1 =	vld [tilespmem:$0x90];
	_ =	sdelay $0x7  }
0x4b: {  	[tilespmem:v1+s18+$0x0] =	vst.idx.add.f32.msk $0xffff, v0  }
0x4c: {  	v1 =	vld [tilespmem:$0xA0];
	_ =	sdelay $0x7  }
0x4d: {  	[tilespmem:v1+s18+$0x0] =	vst.idx.add.f32.msk $0xffff, v0  }
0x4e: {  	v1 =	vld [tilespmem:$0xB0];
	_ =	sdelay $0x7  }
0x4f: {  	[tilespmem:v1+s18+$0x0] =	vst.idx.add.f32.msk $0xffff, v0  }
0x50: {  	v1 =	vld [tilespmem:$0xC0];
	_ =	sdelay $0x7  }
0x51: {  	[tilespmem:v1+s18+$0x0] =	vst.idx.add.f32.msk $0xffff, v0  }
0x52: {  	v1 =	vld [tilespmem:$0xD0];
	_ =	sdelay $0x7  }
0x53: {  	[tilespmem:v1+s18+$0x0] =	vst.idx.add.f32.msk $0xffff, v0  }
0x54: {  	v1 =	vld [tilespmem:$0xE0];
	_ =	sdelay $0x7  }
0x55: {  	[tilespmem:v1+s18+$0x0] =	vst.idx.add.f32.msk $0xffff, v0  }
0x56: {  	v1 =	vld [tilespmem:$0xF0];
	_ =	sdelay $0x2  }
0x57: {  	p0 =	sne.s32 s29, $0x4E0  }
.Ltmp0:
0x58: {  	_ = 	snop;
	(pc) =	sbr.rel @p0 .LBB2_2-.Ltmp0, $2  }
0x59: {  	_ =	sdelay $0x2  }
0x5a: {  	s29 =	sadd.s32 $0x10, s29;
	[tilespmem:v1+s18+$0x0] =	vst.idx.add.f32.msk $0xffff, v0  }
0x5b: {  	[bflag:$0x0] =	sbarrier.arrive $0xFFFF  }
0x5c: {  	[tilespmem:s16], [sflag:$0x2] =	stream.linear.gather [spmem:s7], $0x4000, $0x38;
	[tilespmem:$0x1A480] =	vst v63  }
0x5d: {  	_ =	swait.ge [sflag:s17], $0x4000  }
0x5e: {  	[sflag:s17] =	ssyncset.done $0x0  }
0x5f: {  	[sflag:s17] =	ssyncadd.s32 $0xFFFFC000  }
0x60: {  	[hbm4b:s20+s4] =	stream.linear.scatter [tilespmem:s16], [sflag:$0x2], $0x4000, $0x38;
	[tilespmem:$0x1A480] =	vst v63  }
0x61: {  	_ =	swait.ge [sflag:s17], $0x4000  }
0x62: {  	[sflag:s17] =	ssyncset.done $0x0  }
0x63: {  	[sflag:s17] =	ssyncadd.s32 $0xFFFFC000  }
0x64: {  	[tilespmem:s16], [sflag:$0x2] =	stream.linear.gather [spmem:s8], $0x4000, $0x38;
	[tilespmem:$0x1A480] =	vst v63  }
0x65: {  	_ =	swait.ge [sflag:s17], $0x4000  }
0x66: {  	[sflag:s17] =	ssyncset.done $0x0  }
0x67: {  	[sflag:s17] =	ssyncadd.s32 $0xFFFFC000  }
0x68: {  	[hbm4b:s21+s4] =	stream.linear.scatter [tilespmem:s16], [sflag:$0x2], $0x4000, $0x38;
	[tilespmem:$0x1A480] =	vst v63  }
0x69: {  	_ =	swait.ge [sflag:s17], $0x4000  }
0x6a: {  	[sflag:s17] =	ssyncset.done $0x0  }
0x6b: {  	[sflag:s17] =	ssyncadd.s32 $0xFFFFC000  }
0x6c: {  	[tilespmem:s16], [sflag:$0x2] =	stream.linear.gather [spmem:s9], $0x4000, $0x38;
	[tilespmem:$0x1A480] =	vst v63  }
0x6d: {  	_ =	swait.ge [sflag:s17], $0x4000  }
0x6e: {  	[sflag:s17] =	ssyncset.done $0x0  }
0x6f: {  	[sflag:s17] =	ssyncadd.s32 $0xFFFFC000  }
0x70: {  	[hbm4b:s22+s4] =	stream.linear.scatter [tilespmem:s16], [sflag:$0x2], $0x4000, $0x38;
	[tilespmem:$0x1A480] =	vst v63  }
0x71: {  	_ =	swait.ge [sflag:s17], $0x4000  }
0x72: {  	[sflag:s17] =	ssyncset.done $0x0  }
0x73: {  	[sflag:s17] =	ssyncadd.s32 $0xFFFFC000  }
0x74: {  	[tilespmem:s16], [sflag:$0x2] =	stream.linear.gather [spmem:s10], $0x4000, $0x38;
	[tilespmem:$0x1A480] =	vst v63  }
0x75: {  	_ =	swait.ge [sflag:s17], $0x4000  }
0x76: {  	[sflag:s17] =	ssyncset.done $0x0  }
0x77: {  	[sflag:s17] =	ssyncadd.s32 $0xFFFFC000  }
0x78: {  	[hbm4b:s23+s4] =	stream.linear.scatter [tilespmem:s16], [sflag:$0x2], $0x4000, $0x38;
	[tilespmem:$0x1A480] =	vst v63  }
0x79: {  	_ =	swait.ge [sflag:s17], $0x4000  }
0x7a: {  	[sflag:s17] =	ssyncset.done $0x0  }
0x7b: {  	[sflag:s17] =	ssyncadd.s32 $0xFFFFC000  }
0x7c: {  	[tilespmem:s16], [sflag:$0x2] =	stream.linear.gather [spmem:s11], $0x3C00, $0x38;
	[tilespmem:$0x1A480] =	vst v63  }
0x7d: {  	_ =	swait.ge [sflag:s17], $0x3C00  }
0x7e: {  	[sflag:s17] =	ssyncset.done $0x0  }
0x7f: {  	[sflag:s17] =	ssyncadd.s32 $0xFFFFC400  }
0x80: {  	[hbm4b:s24+s4] =	stream.linear.scatter [tilespmem:s16], [sflag:$0x2], $0x3C00, $0x38;
	[tilespmem:$0x1A480] =	vst v63  }
0x81: {  	s28 =	sadd.s32 $0x1, s28;
	_ =	swait.ge [sflag:s17], $0x3C00  }
0x82: {  	p0 =	sne.s32 s28, s13;
	[sflag:s17] =	ssyncset.done $0x0  }
.Ltmp1:
0x83: {  	[sflag:s17] =	ssyncadd.s32 $0xFFFFC400;
	(pc) =	sbr.rel @p0 .LBB2_1-.Ltmp1, $4  }
0x84: {  	[hbm4b:s12+s19] =	stream.strided.scatter [tilespmem:s18], [sflag:$0x2], $0x2780, s26, s19, $0x38;
	[tilespmem:$0x1A480] =	vst v63  }
0x85: {  	_ =	swait.ge [sflag:s17], $0x2780  }
0x86: {  	[sflag:s17] =	ssyncset.done $0x0  }
0x87: {  	[sflag:s17] =	ssyncadd.s32 $0xFFFFD880  }
0x88: {  	_ =	sfence.sel $0x180000  }
0x89: {  	[bflag:$0x0] =	sbarrier.arrive $0xFFFF  }
0x8a: {  	p0 =	sne.s32 s2, $0x0;
	_ =	strace $0x9000004A  }
0x8b: {  	s0 =	sadd.s32 @!p0 $0x100000, s0;
	[bflag:$0x2] =	sbarrier.arrive $0xFFFF  }
0x8c: {  	[sflag:s0] =	ssyncadd.tile.s32 @!p0 $0x1;
	_ =	shalt  }
.Lfunc_end2:
_tile_overlayer_lowered:
.L_overlay_start_2:
0x8d: {  	(tag) =	ssettag $0x2  }
0x8e: {  	s0 =	rddreg [dreg:$0x0];
	s2 =	stileid.u32  }
0x8f: {  	s1 =	rddreg [dreg:$0x1];
	p0 =	sne.s32 s2, $0x0  }
0x90: {  	s3 =	rddreg [dreg:$0x2];
	[bflag:$0x3] =	sbarrier.arrive $0xFFFF;
	s2 =	simm.s32 @!p0 $0x1C02  }
0x91: {  	[timem:s3], [sflag:s2] =	dma.local @!p0 [hbm:s0], s1  }
0x92: {  	s0 =	simm.s32 @!p0 $0x2  }
0x93: {  	_ =	swait.ge @!p0 [sflag:s0], s1  }
0x94: {  	s1 =	ssub.s32 @!p0 $0x0, s1;
	[sflag:s0] =	ssyncset.done @!p0 $0x0  }
0x95: {  	[sflag:s0] =	ssyncadd.s32 @!p0 s1  }
0x96: {  	[bflag:$0x3] =	sbarrier.arrive $0xFFFF  }
0x97: {  	_ =	shalt  }

</sc_bundles>
